<compile_context>
chip_gen: v7x
topology: tpu7x:2x2x1
jax: 0.10.2.dev20260603
libtpu: 0.0.44.dev20260713+nightly
codegen_flags: <defaults>
</compile_context>

<pallas_src>
import functools

import jax
import jax.numpy as jnp
from jax import lax
from jax.experimental import pallas as pl
from jax.experimental.pallas import tpu as pltpu
from jax.experimental.pallas import tpu_sc as plsc

B = 4096
H = 200
V = 1000000
D = 64
NC, NS = 2, 16
NW = NC * NS
R = B * H
RPW = R // NW
NU = RPW // 128
NG = 5
NO = 2
SCALE = 8.0


@functools.lru_cache(maxsize=None)
def _make():
    mesh = plsc.VectorSubcoreMesh(core_axis_name="c", subcore_axis_name="s")

    @functools.partial(
        pl.kernel,
        mesh=mesh,
        out_type=jax.ShapeDtypeStruct((R, D), jnp.float32),
        scratch_types=[
            pltpu.VMEM((NG, 128), jnp.int32),
            pltpu.VMEM((NG, 128, 2 * D), jnp.float32),
            pltpu.VMEM((NG, 16, 128), jnp.float32),
            pltpu.VMEM((NO, 128, D), jnp.float32),
            pltpu.SemaphoreType.DMA((NG,)),
            pltpu.SemaphoreType.DMA((NG,)),
            pltpu.SemaphoreType.DMA((NG,)),
            pltpu.SemaphoreType.DMA((NO,)),
        ],
    )
    def k(ix_hbm, tab_hbm, p8_hbm, out_hbm, xb, gbuf, pbuf, obuf,
          isem, gsem, psem, osem):
        wid = lax.axis_index("s") * NC + lax.axis_index("c")
        u0 = wid * NU

        def fire_idx(u, g):
            pltpu.async_copy(ix_hbm.at[u0 + u], xb.at[g], isem.at[g])

        def wait_idx(u, g):
            pltpu.make_async_copy(
                ix_hbm.at[u0 + u], xb.at[g], isem.at[g]
            ).wait()

        def fire_gather(u, g):
            pltpu.async_copy(tab_hbm.at[xb.at[g]], gbuf.at[g], gsem.at[g])
            pltpu.async_copy(p8_hbm.at[u0 + u], pbuf.at[g], psem.at[g])

        def wait_gather(u, g):
            pltpu.make_async_copy(
                tab_hbm.at[xb.at[g]], gbuf.at[g], gsem.at[g]
            ).wait()
            pltpu.make_async_copy(
                p8_hbm.at[u0 + u], pbuf.at[g], psem.at[g]
            ).wait()

        def out_slice(u):
            return out_hbm.at[pl.ds((u0 + u) * 128, 128)]

        def fire_out(u, o):
            pltpu.async_copy(obuf.at[o], out_slice(u), osem.at[o])

        def wait_out(u, o):
            pltpu.make_async_copy(obuf.at[o], out_slice(u), osem.at[o]).wait()

        def blend(g, o):
            def body(j, carry):
                for m in range(8):
                    i = j * 8 + m
                    p = pbuf[g, j, pl.ds(m * 16, 16)]
                    for c in range(D // 16):
                        lo = gbuf[g, i, pl.ds(c * 16, 16)]
                        hi = gbuf[g, i, pl.ds(D + c * 16, 16)]
                        obuf[o, i, pl.ds(c * 16, 16)] = (
                            lo * SCALE + (hi - lo) * p
                        )
                return carry

            lax.fori_loop(0, 16, body, 0)

        for j in range(NG):
            fire_idx(j, j)
        for j in range(NG):
            wait_idx(j, j)
            fire_gather(j, j)

        def unit_body(u, carry):
            g = lax.rem(u, NG)
            o = lax.rem(u, NO)
            wait_gather(u, g)

            @pl.when(u + NG < NU)
            def _fi():
                fire_idx(u + NG, g)

            @pl.when(u >= NO)
            def _wo():
                wait_out(u - NO, o)

            blend(g, o)
            fire_out(u, o)

            @pl.when(u + NG < NU)
            def _fg():
                wait_idx(u + NG, g)
                fire_gather(u + NG, g)

            return carry

        lax.fori_loop(0, NU, unit_body, 0)

        for u in range(NU - NO, NU):
            wait_out(u, u % NO)

    return k


@jax.jit
def kernel(x, input_embedding):
    xf = x.reshape(R).astype(jnp.int32)
    ix = (xf >> 1).reshape(R // 128, 128)
    p8 = jnp.broadcast_to(
        ((xf & 1).astype(jnp.float32) * SCALE)[:, None], (R, 16)
    ).reshape(R // 128, 16, 128)
    tab2 = input_embedding.reshape(V // 2, 2 * D)
    outp = _make()(ix, tab2, p8)
    return outp.reshape(B, H, D)

# --- scband reference (transcript-rebuilt; emitter-appended) ---
"""Pipeline reference for scband-embedder-18021682774648 (READ-ONLY COPY).

The authoritative reference and input builder live on the scoring server;
editing this copy changes nothing except your own understanding.
"""

import jax, jax.numpy as jnp
import numpy as np

VOCAB_SIZE = 1000000
EMBED_DIM = 64
BATCH = 4096
HIST_LEN = 200

def setup_inputs(seed: int = 0) -> dict:
    key = jax.random.key(seed)
    k_idx, k_tab = jax.random.split(key)
    x = jax.random.randint(k_idx, (BATCH, HIST_LEN), 0, VOCAB_SIZE, dtype=jnp.int64 if jax.config.jax_enable_x64 else jnp.int32)
    # normal initializer with default stddev=0.01 as in flax.linen.initializers.normal()
    input_embedding = jax.random.normal(k_tab, (VOCAB_SIZE, EMBED_DIM), dtype=jnp.float32) * 0.01
    return {"x": x, "input_embedding": input_embedding}

def reference(x, input_embedding):
    # Embedder.encode: gather rows then scale by sqrt(embed_dim)
    out = jnp.take(input_embedding, x, axis=0)
    out = out * jnp.sqrt(jnp.float32(out.shape[-1])).astype(out.dtype)
    return out

if __name__ == "__main__":
    import jax
    _d = setup_inputs()
    print(jax.jit(kernel)(*tuple(_d.values())))

</pallas_src>

<mosaic_0001>
#map = affine_map<(d0, d1) -> (0, 0)>
#map1 = affine_map<(d0, d1) -> (0, 0, 0)>
module attributes {stable_mosaic.version = 14 : i64} {
  func.func @k(%arg0: i32, %arg1: i32, %arg2: memref<6400x128xi32, #tpu.memory_space<hbm>>, %arg3: memref<500000x128xf32, #tpu.memory_space<hbm>>, %arg4: memref<6400x16x128xf32, #tpu.memory_space<hbm>>, %arg5: memref<819200x64xf32, #tpu.memory_space<hbm>>, %arg6: memref<5x128xi32, #tpu.memory_space<vmem>>, %arg7: memref<5x128x128xf32, #tpu.memory_space<vmem>>, %arg8: memref<5x16x128xf32, #tpu.memory_space<vmem>>, %arg9: memref<2x128x64xf32, #tpu.memory_space<vmem>>, %arg10: memref<5x!tpu.dma_semaphore, #tpu.memory_space<semaphore_mem>>, %arg11: memref<5x!tpu.dma_semaphore, #tpu.memory_space<semaphore_mem>>, %arg12: memref<5x!tpu.dma_semaphore, #tpu.memory_space<semaphore_mem>>, %arg13: memref<2x!tpu.dma_semaphore, #tpu.memory_space<semaphore_mem>>) attributes {dimension_semantics = [#tpu.dimension_semantics<core_parallel>, #tpu.dimension_semantics<subcore_parallel>], iteration_bounds = array<i64: 2, 16>, scalar_prefetch = 0 : i64, scratch_operands = 8 : i64, tpu.core_type = #tpu.core_type<sc_vector_subcore>, window_params = [{transform_indices = #map}, {transform_indices = #map}, {transform_indices = #map1}, {transform_indices = #map}]} {
    %mul3A = arith.constant 2 : i32
    %mul3A_0 = arith.muli %arg1, %mul3A : i32
    %add3A = arith.addi %mul3A_0, %arg0 : i32
    %mul3A_1 = arith.constant 200 : i32
    %mul3A_2 = arith.muli %add3A, %mul3A_1 : i32
    %add3A_3 = arith.constant 0 : i32
    %add3A_4 = arith.addi %mul3A_2, %add3A_3 : i32
    %dma_start3A = arith.constant 0 : i32
    %dma_start3A_5 = arith.constant 0 : i32
    %dma_start3A_6 = arith.constant 0 : i32
    %dma_start3A_7 = tpu.memref_slice %arg6[%dma_start3A, %dma_start3A_6] : memref<5x128xi32, #tpu.memory_space<vmem>> -> memref<1x128xi32, #tpu.memory_space<vmem>>
    %dma_start3A_8 = tpu.memref_squeeze %dma_start3A_7 : memref<1x128xi32, #tpu.memory_space<vmem>> -> memref<128xi32, #tpu.memory_space<vmem>>
    %dma_start3A_9 = arith.constant 0 : i32
    %dma_start3A_10 = tpu.memref_slice %arg2[%add3A_4, %dma_start3A_9] : memref<6400x128xi32, #tpu.memory_space<hbm>> -> memref<1x128xi32, #tpu.memory_space<hbm>>
    %dma_start3A_11 = tpu.memref_squeeze %dma_start3A_10 : memref<1x128xi32, #tpu.memory_space<hbm>> -> memref<128xi32, #tpu.memory_space<hbm>>
    %dma_start3A_12 = tpu.memref_slice %arg10[%dma_start3A_5] : memref<5x!tpu.dma_semaphore, #tpu.memory_space<semaphore_mem>> -> memref<1x!tpu.dma_semaphore, #tpu.memory_space<semaphore_mem>>
    %dma_start3A_13 = tpu.memref_squeeze %dma_start3A_12 : memref<1x!tpu.dma_semaphore, #tpu.memory_space<semaphore_mem>> -> memref<!tpu.dma_semaphore, #tpu.memory_space<semaphore_mem>>
    %dma_start3A_14 = arith.constant 0 : i32
    %dma_start3A_15 = tpu.memref_slice %arg6[%dma_start3A, %dma_start3A_14] : memref<5x128xi32, #tpu.memory_space<vmem>> -> memref<1x128xi32, #tpu.memory_space<vmem>>
    %dma_start3A_16 = tpu.memref_squeeze %dma_start3A_15 : memref<1x128xi32, #tpu.memory_space<vmem>> -> memref<128xi32, #tpu.memory_space<vmem>>
    %dma_start3A_17 = arith.constant 0 : i32
    %dma_start3A_18 = tpu.memref_slice %arg2[%add3A_4, %dma_start3A_17] : memref<6400x128xi32, #tpu.memory_space<hbm>> -> memref<1x128xi32, #tpu.memory_space<hbm>>
    %dma_start3A_19 = tpu.memref_squeeze %dma_start3A_18 : memref<1x128xi32, #tpu.memory_space<hbm>> -> memref<128xi32, #tpu.memory_space<hbm>>
    tpu.enqueue_dma source(%dma_start3A_19 : memref<128xi32, #tpu.memory_space<hbm>>) target(%dma_start3A_16 : memref<128xi32, #tpu.memory_space<vmem>>) target_semaphore(%dma_start3A_13 : memref<!tpu.dma_semaphore, #tpu.memory_space<semaphore_mem>>)
    %add3A_20 = arith.constant 1 : i32
    %add3A_21 = arith.addi %mul3A_2, %add3A_20 : i32
    %dma_start3A_22 = arith.constant 1 : i32
    %dma_start3A_23 = arith.constant 1 : i32
    %dma_start3A_24 = arith.constant 0 : i32
    %dma_start3A_25 = tpu.memref_slice %arg6[%dma_start3A_22, %dma_start3A_24] : memref<5x128xi32, #tpu.memory_space<vmem>> -> memref<1x128xi32, #tpu.memory_space<vmem>>
    %dma_start3A_26 = tpu.memref_squeeze %dma_start3A_25 : memref<1x128xi32, #tpu.memory_space<vmem>> -> memref<128xi32, #tpu.memory_space<vmem>>
    %dma_start3A_27 = arith.constant 0 : i32
    %dma_start3A_28 = tpu.memref_slice %arg2[%add3A_21, %dma_start3A_27] : memref<6400x128xi32, #tpu.memory_space<hbm>> -> memref<1x128xi32, #tpu.memory_space<hbm>>
    %dma_start3A_29 = tpu.memref_squeeze %dma_start3A_28 : memref<1x128xi32, #tpu.memory_space<hbm>> -> memref<128xi32, #tpu.memory_space<hbm>>
    %dma_start3A_30 = tpu.memref_slice %arg10[%dma_start3A_23] : memref<5x!tpu.dma_semaphore, #tpu.memory_space<semaphore_mem>> -> memref<1x!tpu.dma_semaphore, #tpu.memory_space<semaphore_mem>>
    %dma_start3A_31 = tpu.memref_squeeze %dma_start3A_30 : memref<1x!tpu.dma_semaphore, #tpu.memory_space<semaphore_mem>> -> memref<!tpu.dma_semaphore, #tpu.memory_space<semaphore_mem>>
    %dma_start3A_32 = arith.constant 0 : i32
    %dma_start3A_33 = tpu.memref_slice %arg6[%dma_start3A_22, %dma_start3A_32] : memref<5x128xi32, #tpu.memory_space<vmem>> -> memref<1x128xi32, #tpu.memory_space<vmem>>
    %dma_start3A_34 = tpu.memref_squeeze %dma_start3A_33 : memref<1x128xi32, #tpu.memory_space<vmem>> -> memref<128xi32, #tpu.memory_space<vmem>>
    %dma_start3A_35 = arith.constant 0 : i32
    %dma_start3A_36 = tpu.memref_slice %arg2[%add3A_21, %dma_start3A_35] : memref<6400x128xi32, #tpu.memory_space<hbm>> -> memref<1x128xi32, #tpu.memory_space<hbm>>
    %dma_start3A_37 = tpu.memref_squeeze %dma_start3A_36 : memref<1x128xi32, #tpu.memory_space<hbm>> -> memref<128xi32, #tpu.memory_space<hbm>>
    tpu.enqueue_dma source(%dma_start3A_37 : memref<128xi32, #tpu.memory_space<hbm>>) target(%dma_start3A_34 : memref<128xi32, #tpu.memory_space<vmem>>) target_semaphore(%dma_start3A_31 : memref<!tpu.dma_semaphore, #tpu.memory_space<semaphore_mem>>)
    %add3A_38 = arith.constant 2 : i32
    %add3A_39 = arith.addi %mul3A_2, %add3A_38 : i32
    %dma_start3A_40 = arith.constant 2 : i32
    %dma_start3A_41 = arith.constant 2 : i32
    %dma_start3A_42 = arith.constant 0 : i32
    %dma_start3A_43 = tpu.memref_slice %arg6[%dma_start3A_40, %dma_start3A_42] : memref<5x128xi32, #tpu.memory_space<vmem>> -> memref<1x128xi32, #tpu.memory_space<vmem>>
    %dma_start3A_44 = tpu.memref_squeeze %dma_start3A_43 : memref<1x128xi32, #tpu.memory_space<vmem>> -> memref<128xi32, #tpu.memory_space<vmem>>
    %dma_start3A_45 = arith.constant 0 : i32
    %dma_start3A_46 = tpu.memref_slice %arg2[%add3A_39, %dma_start3A_45] : memref<6400x128xi32, #tpu.memory_space<hbm>> -> memref<1x128xi32, #tpu.memory_space<hbm>>
    %dma_start3A_47 = tpu.memref_squeeze %dma_start3A_46 : memref<1x128xi32, #tpu.memory_space<hbm>> -> memref<128xi32, #tpu.memory_space<hbm>>
    %dma_start3A_48 = tpu.memref_slice %arg10[%dma_start3A_41] : memref<5x!tpu.dma_semaphore, #tpu.memory_space<semaphore_mem>> -> memref<1x!tpu.dma_semaphore, #tpu.memory_space<semaphore_mem>>
    %dma_start3A_49 = tpu.memref_squeeze %dma_start3A_48 : memref<1x!tpu.dma_semaphore, #tpu.memory_space<semaphore_mem>> -> memref<!tpu.dma_semaphore, #tpu.memory_space<semaphore_mem>>
    %dma_start3A_50 = arith.constant 0 : i32
    %dma_start3A_51 = tpu.memref_slice %arg6[%dma_start3A_40, %dma_start3A_50] : memref<5x128xi32, #tpu.memory_space<vmem>> -> memref<1x128xi32, #tpu.memory_space<vmem>>
    %dma_start3A_52 = tpu.memref_squeeze %dma_start3A_51 : memref<1x128xi32, #tpu.memory_space<vmem>> -> memref<128xi32, #tpu.memory_space<vmem>>
    %dma_start3A_53 = arith.constant 0 : i32
    %dma_start3A_54 = tpu.memref_slice %arg2[%add3A_39, %dma_start3A_53] : memref<6400x128xi32, #tpu.memory_space<hbm>> -> memref<1x128xi32, #tpu.memory_space<hbm>>
    %dma_start3A_55 = tpu.memref_squeeze %dma_start3A_54 : memref<1x128xi32, #tpu.memory_space<hbm>> -> memref<128xi32, #tpu.memory_space<hbm>>
    tpu.enqueue_dma source(%dma_start3A_55 : memref<128xi32, #tpu.memory_space<hbm>>) target(%dma_start3A_52 : memref<128xi32, #tpu.memory_space<vmem>>) target_semaphore(%dma_start3A_49 : memref<!tpu.dma_semaphore, #tpu.memory_space<semaphore_mem>>)
    %add3A_56 = arith.constant 3 : i32
    %add3A_57 = arith.addi %mul3A_2, %add3A_56 : i32
    %dma_start3A_58 = arith.constant 3 : i32
    %dma_start3A_59 = arith.constant 3 : i32
    %dma_start3A_60 = arith.constant 0 : i32
    %dma_start3A_61 = tpu.memref_slice %arg6[%dma_start3A_58, %dma_start3A_60] : memref<5x128xi32, #tpu.memory_space<vmem>> -> memref<1x128xi32, #tpu.memory_space<vmem>>
    %dma_start3A_62 = tpu.memref_squeeze %dma_start3A_61 : memref<1x128xi32, #tpu.memory_space<vmem>> -> memref<128xi32, #tpu.memory_space<vmem>>
    %dma_start3A_63 = arith.constant 0 : i32
    %dma_start3A_64 = tpu.memref_slice %arg2[%add3A_57, %dma_start3A_63] : memref<6400x128xi32, #tpu.memory_space<hbm>> -> memref<1x128xi32, #tpu.memory_space<hbm>>
    %dma_start3A_65 = tpu.memref_squeeze %dma_start3A_64 : memref<1x128xi32, #tpu.memory_space<hbm>> -> memref<128xi32, #tpu.memory_space<hbm>>
    %dma_start3A_66 = tpu.memref_slice %arg10[%dma_start3A_59] : memref<5x!tpu.dma_semaphore, #tpu.memory_space<semaphore_mem>> -> memref<1x!tpu.dma_semaphore, #tpu.memory_space<semaphore_mem>>
    %dma_start3A_67 = tpu.memref_squeeze %dma_start3A_66 : memref<1x!tpu.dma_semaphore, #tpu.memory_space<semaphore_mem>> -> memref<!tpu.dma_semaphore, #tpu.memory_space<semaphore_mem>>
    %dma_start3A_68 = arith.constant 0 : i32
    %dma_start3A_69 = tpu.memref_slice %arg6[%dma_start3A_58, %dma_start3A_68] : memref<5x128xi32, #tpu.memory_space<vmem>> -> memref<1x128xi32, #tpu.memory_space<vmem>>
    %dma_start3A_70 = tpu.memref_squeeze %dma_start3A_69 : memref<1x128xi32, #tpu.memory_space<vmem>> -> memref<128xi32, #tpu.memory_space<vmem>>
    %dma_start3A_71 = arith.constant 0 : i32
    %dma_start3A_72 = tpu.memref_slice %arg2[%add3A_57, %dma_start3A_71] : memref<6400x128xi32, #tpu.memory_space<hbm>> -> memref<1x128xi32, #tpu.memory_space<hbm>>
    %dma_start3A_73 = tpu.memref_squeeze %dma_start3A_72 : memref<1x128xi32, #tpu.memory_space<hbm>> -> memref<128xi32, #tpu.memory_space<hbm>>
    tpu.enqueue_dma source(%dma_start3A_73 : memref<128xi32, #tpu.memory_space<hbm>>) target(%dma_start3A_70 : memref<128xi32, #tpu.memory_space<vmem>>) target_semaphore(%dma_start3A_67 : memref<!tpu.dma_semaphore, #tpu.memory_space<semaphore_mem>>)
    %add3A_74 = arith.constant 4 : i32
    %add3A_75 = arith.addi %mul3A_2, %add3A_74 : i32
    %dma_start3A_76 = arith.constant 4 : i32
    %dma_start3A_77 = arith.constant 4 : i32
    %dma_start3A_78 = arith.constant 0 : i32
    %dma_start3A_79 = tpu.memref_slice %arg6[%dma_start3A_76, %dma_start3A_78] : memref<5x128xi32, #tpu.memory_space<vmem>> -> memref<1x128xi32, #tpu.memory_space<vmem>>
    %dma_start3A_80 = tpu.memref_squeeze %dma_start3A_79 : memref<1x128xi32, #tpu.memory_space<vmem>> -> memref<128xi32, #tpu.memory_space<vmem>>
    %dma_start3A_81 = arith.constant 0 : i32
    %dma_start3A_82 = tpu.memref_slice %arg2[%add3A_75, %dma_start3A_81] : memref<6400x128xi32, #tpu.memory_space<hbm>> -> memref<1x128xi32, #tpu.memory_space<hbm>>
    %dma_start3A_83 = tpu.memref_squeeze %dma_start3A_82 : memref<1x128xi32, #tpu.memory_space<hbm>> -> memref<128xi32, #tpu.memory_space<hbm>>
    %dma_start3A_84 = tpu.memref_slice %arg10[%dma_start3A_77] : memref<5x!tpu.dma_semaphore, #tpu.memory_space<semaphore_mem>> -> memref<1x!tpu.dma_semaphore, #tpu.memory_space<semaphore_mem>>
    %dma_start3A_85 = tpu.memref_squeeze %dma_start3A_84 : memref<1x!tpu.dma_semaphore, #tpu.memory_space<semaphore_mem>> -> memref<!tpu.dma_semaphore, #tpu.memory_space<semaphore_mem>>
    %dma_start3A_86 = arith.constant 0 : i32
    %dma_start3A_87 = tpu.memref_slice %arg6[%dma_start3A_76, %dma_start3A_86] : memref<5x128xi32, #tpu.memory_space<vmem>> -> memref<1x128xi32, #tpu.memory_space<vmem>>
    %dma_start3A_88 = tpu.memref_squeeze %dma_start3A_87 : memref<1x128xi32, #tpu.memory_space<vmem>> -> memref<128xi32, #tpu.memory_space<vmem>>
    %dma_start3A_89 = arith.constant 0 : i32
    %dma_start3A_90 = tpu.memref_slice %arg2[%add3A_75, %dma_start3A_89] : memref<6400x128xi32, #tpu.memory_space<hbm>> -> memref<1x128xi32, #tpu.memory_space<hbm>>
    %dma_start3A_91 = tpu.memref_squeeze %dma_start3A_90 : memref<1x128xi32, #tpu.memory_space<hbm>> -> memref<128xi32, #tpu.memory_space<hbm>>
    tpu.enqueue_dma source(%dma_start3A_91 : memref<128xi32, #tpu.memory_space<hbm>>) target(%dma_start3A_88 : memref<128xi32, #tpu.memory_space<vmem>>) target_semaphore(%dma_start3A_85 : memref<!tpu.dma_semaphore, #tpu.memory_space<semaphore_mem>>)
    %add3A_92 = arith.constant 0 : i32
    %add3A_93 = arith.addi %mul3A_2, %add3A_92 : i32
    %dma_wait3A = arith.constant 0 : i32
    %dma_wait3A_94 = arith.constant 0 : i32
    %dma_wait3A_95 = arith.constant 0 : i32
    %dma_wait3A_96 = tpu.memref_slice %arg6[%dma_wait3A, %dma_wait3A_95] : memref<5x128xi32, #tpu.memory_space<vmem>> -> memref<1x128xi32, #tpu.memory_space<vmem>>
    %dma_wait3A_97 = tpu.memref_squeeze %dma_wait3A_96 : memref<1x128xi32, #tpu.memory_space<vmem>> -> memref<128xi32, #tpu.memory_space<vmem>>
    %dma_wait3A_98 = arith.constant 0 : i32
    %dma_wait3A_99 = tpu.memref_slice %arg2[%add3A_93, %dma_wait3A_98] : memref<6400x128xi32, #tpu.memory_space<hbm>> -> memref<1x128xi32, #tpu.memory_space<hbm>>
    %dma_wait3A_100 = tpu.memref_squeeze %dma_wait3A_99 : memref<1x128xi32, #tpu.memory_space<hbm>> -> memref<128xi32, #tpu.memory_space<hbm>>
    %dma_wait3A_101 = tpu.memref_slice %arg10[%dma_wait3A_94] : memref<5x!tpu.dma_semaphore, #tpu.memory_space<semaphore_mem>> -> memref<1x!tpu.dma_semaphore, #tpu.memory_space<semaphore_mem>>
    %dma_wait3A_102 = tpu.memref_squeeze %dma_wait3A_101 : memref<1x!tpu.dma_semaphore, #tpu.memory_space<semaphore_mem>> -> memref<!tpu.dma_semaphore, #tpu.memory_space<semaphore_mem>>
    %dma_wait3A_103 = arith.constant 0 : i32
    %dma_wait3A_104 = tpu.memref_slice %arg6[%dma_wait3A, %dma_wait3A_103] : memref<5x128xi32, #tpu.memory_space<vmem>> -> memref<1x128xi32, #tpu.memory_space<vmem>>
    %dma_wait3A_105 = tpu.memref_squeeze %dma_wait3A_104 : memref<1x128xi32, #tpu.memory_space<vmem>> -> memref<128xi32, #tpu.memory_space<vmem>>
    %dma_wait3A_106 = arith.constant 0 : i32
    %dma_wait3A_107 = tpu.memref_slice %arg2[%add3A_93, %dma_wait3A_106] : memref<6400x128xi32, #tpu.memory_space<hbm>> -> memref<1x128xi32, #tpu.memory_space<hbm>>
    %dma_wait3A_108 = tpu.memref_squeeze %dma_wait3A_107 : memref<1x128xi32, #tpu.memory_space<hbm>> -> memref<128xi32, #tpu.memory_space<hbm>>
    tpu.wait_dma2 semaphore(%dma_wait3A_102 : memref<!tpu.dma_semaphore, #tpu.memory_space<semaphore_mem>>) src(%dma_wait3A_108 : memref<128xi32, #tpu.memory_space<hbm>>) dst(%dma_wait3A_105 : memref<128xi32, #tpu.memory_space<vmem>>)
    %dma_start3A_109 = arith.constant 0 : i32
    %dma_start3A_110 = arith.constant 0 : i32
    %dma_start3A_111 = arith.constant 0 : i32
    %dma_start3A_112 = arith.constant 0 : i32
    %dma_start3A_113 = arith.constant 0 : i32
    %dma_start3A_114 = tpu.memref_slice %arg7[%dma_start3A_110, %dma_start3A_112, %dma_start3A_113] : memref<5x128x128xf32, #tpu.memory_space<vmem>> -> memref<1x128x128xf32, #tpu.memory_space<vmem>>
    %dma_start3A_115 = tpu.memref_squeeze %dma_start3A_114 : memref<1x128x128xf32, #tpu.memory_space<vmem>> -> memref<128x128xf32, #tpu.memory_space<vmem>>
    %dma_start3A_116 = arith.constant 0 : i32
    %dma_start3A_117 = tpu.memref_slice %arg6[%dma_start3A_109, %dma_start3A_116] : memref<5x128xi32, #tpu.memory_space<vmem>> -> memref<1x128xi32, #tpu.memory_space<vmem>>
    %dma_start3A_118 = tpu.memref_squeeze %dma_start3A_117 : memref<1x128xi32, #tpu.memory_space<vmem>> -> memref<128xi32, #tpu.memory_space<vmem>>
    %dma_start3A_119 = arith.constant 0 : i32
    %dma_start3A_120 = arith.constant 0 : i32
    %dma_start3A_121 = tpu.memref_slice %arg3[%dma_start3A_119, %dma_start3A_120] : memref<500000x128xf32, #tpu.memory_space<hbm>> -> memref<500000x128xf32, #tpu.memory_space<hbm>>
    %dma_start3A_122 = tpu.memref_slice %arg11[%dma_start3A_111] : memref<5x!tpu.dma_semaphore, #tpu.memory_space<semaphore_mem>> -> memref<1x!tpu.dma_semaphore, #tpu.memory_space<semaphore_mem>>
    %dma_start3A_123 = tpu.memref_squeeze %dma_start3A_122 : memref<1x!tpu.dma_semaphore, #tpu.memory_space<semaphore_mem>> -> memref<!tpu.dma_semaphore, #tpu.memory_space<semaphore_mem>>
    tpu.enqueue_indirect_dma source(%dma_start3A_121 : memref<500000x128xf32, #tpu.memory_space<hbm>>) target(%dma_start3A_115 : memref<128x128xf32, #tpu.memory_space<vmem>>) offsets(%dma_start3A_118 : memref<128xi32, #tpu.memory_space<vmem>>) semaphore(%dma_start3A_123 : memref<!tpu.dma_semaphore, #tpu.memory_space<semaphore_mem>>)
    %add3A_124 = arith.constant 0 : i32
    %add3A_125 = arith.addi %mul3A_2, %add3A_124 : i32
    %dma_start3A_126 = arith.constant 0 : i32
    %dma_start3A_127 = arith.constant 0 : i32
    %dma_start3A_128 = arith.constant 0 : i32
    %dma_start3A_129 = arith.constant 0 : i32
    %dma_start3A_130 = tpu.memref_slice %arg8[%dma_start3A_126, %dma_start3A_128, %dma_start3A_129] : memref<5x16x128xf32, #tpu.memory_space<vmem>> -> memref<1x16x128xf32, #tpu.memory_space<vmem>>
    %dma_start3A_131 = tpu.memref_squeeze %dma_start3A_130 : memref<1x16x128xf32, #tpu.memory_space<vmem>> -> memref<16x128xf32, #tpu.memory_space<vmem>>
    %dma_start3A_132 = arith.constant 0 : i32
    %dma_start3A_133 = arith.constant 0 : i32
    %dma_start3A_134 = tpu.memref_slice %arg4[%add3A_125, %dma_start3A_132, %dma_start3A_133] : memref<6400x16x128xf32, #tpu.memory_space<hbm>> -> memref<1x16x128xf32, #tpu.memory_space<hbm>>
    %dma_start3A_135 = tpu.memref_squeeze %dma_start3A_134 : memref<1x16x128xf32, #tpu.memory_space<hbm>> -> memref<16x128xf32, #tpu.memory_space<hbm>>
    %dma_start3A_136 = tpu.memref_slice %arg12[%dma_start3A_127] : memref<5x!tpu.dma_semaphore, #tpu.memory_space<semaphore_mem>> -> memref<1x!tpu.dma_semaphore, #tpu.memory_space<semaphore_mem>>
    %dma_start3A_137 = tpu.memref_squeeze %dma_start3A_136 : memref<1x!tpu.dma_semaphore, #tpu.memory_space<semaphore_mem>> -> memref<!tpu.dma_semaphore, #tpu.memory_space<semaphore_mem>>
    %dma_start3A_138 = arith.constant 0 : i32
    %dma_start3A_139 = arith.constant 0 : i32
    %dma_start3A_140 = tpu.memref_slice %arg8[%dma_start3A_126, %dma_start3A_138, %dma_start3A_139] : memref<5x16x128xf32, #tpu.memory_space<vmem>> -> memref<1x16x128xf32, #tpu.memory_space<vmem>>
    %dma_start3A_141 = tpu.memref_squeeze %dma_start3A_140 : memref<1x16x128xf32, #tpu.memory_space<vmem>> -> memref<16x128xf32, #tpu.memory_space<vmem>>
    %dma_start3A_142 = arith.constant 0 : i32
    %dma_start3A_143 = arith.constant 0 : i32
    %dma_start3A_144 = tpu.memref_slice %arg4[%add3A_125, %dma_start3A_142, %dma_start3A_143] : memref<6400x16x128xf32, #tpu.memory_space<hbm>> -> memref<1x16x128xf32, #tpu.memory_space<hbm>>
    %dma_start3A_145 = tpu.memref_squeeze %dma_start3A_144 : memref<1x16x128xf32, #tpu.memory_space<hbm>> -> memref<16x128xf32, #tpu.memory_space<hbm>>
    tpu.enqueue_dma source(%dma_start3A_145 : memref<16x128xf32, #tpu.memory_space<hbm>>) target(%dma_start3A_141 : memref<16x128xf32, #tpu.memory_space<vmem>>) target_semaphore(%dma_start3A_137 : memref<!tpu.dma_semaphore, #tpu.memory_space<semaphore_mem>>)
    %add3A_146 = arith.constant 1 : i32
    %add3A_147 = arith.addi %mul3A_2, %add3A_146 : i32
    %dma_wait3A_148 = arith.constant 1 : i32
    %dma_wait3A_149 = arith.constant 1 : i32
    %dma_wait3A_150 = arith.constant 0 : i32
    %dma_wait3A_151 = tpu.memref_slice %arg6[%dma_wait3A_148, %dma_wait3A_150] : memref<5x128xi32, #tpu.memory_space<vmem>> -> memref<1x128xi32, #tpu.memory_space<vmem>>
    %dma_wait3A_152 = tpu.memref_squeeze %dma_wait3A_151 : memref<1x128xi32, #tpu.memory_space<vmem>> -> memref<128xi32, #tpu.memory_space<vmem>>
    %dma_wait3A_153 = arith.constant 0 : i32
    %dma_wait3A_154 = tpu.memref_slice %arg2[%add3A_147, %dma_wait3A_153] : memref<6400x128xi32, #tpu.memory_space<hbm>> -> memref<1x128xi32, #tpu.memory_space<hbm>>
    %dma_wait3A_155 = tpu.memref_squeeze %dma_wait3A_154 : memref<1x128xi32, #tpu.memory_space<hbm>> -> memref<128xi32, #tpu.memory_space<hbm>>
    %dma_wait3A_156 = tpu.memref_slice %arg10[%dma_wait3A_149] : memref<5x!tpu.dma_semaphore, #tpu.memory_space<semaphore_mem>> -> memref<1x!tpu.dma_semaphore, #tpu.memory_space<semaphore_mem>>
    %dma_wait3A_157 = tpu.memref_squeeze %dma_wait3A_156 : memref<1x!tpu.dma_semaphore, #tpu.memory_space<semaphore_mem>> -> memref<!tpu.dma_semaphore, #tpu.memory_space<semaphore_mem>>
    %dma_wait3A_158 = arith.constant 0 : i32
    %dma_wait3A_159 = tpu.memref_slice %arg6[%dma_wait3A_148, %dma_wait3A_158] : memref<5x128xi32, #tpu.memory_space<vmem>> -> memref<1x128xi32, #tpu.memory_space<vmem>>
    %dma_wait3A_160 = tpu.memref_squeeze %dma_wait3A_159 : memref<1x128xi32, #tpu.memory_space<vmem>> -> memref<128xi32, #tpu.memory_space<vmem>>
    %dma_wait3A_161 = arith.constant 0 : i32
    %dma_wait3A_162 = tpu.memref_slice %arg2[%add3A_147, %dma_wait3A_161] : memref<6400x128xi32, #tpu.memory_space<hbm>> -> memref<1x128xi32, #tpu.memory_space<hbm>>
    %dma_wait3A_163 = tpu.memref_squeeze %dma_wait3A_162 : memref<1x128xi32, #tpu.memory_space<hbm>> -> memref<128xi32, #tpu.memory_space<hbm>>
    tpu.wait_dma2 semaphore(%dma_wait3A_157 : memref<!tpu.dma_semaphore, #tpu.memory_space<semaphore_mem>>) src(%dma_wait3A_163 : memref<128xi32, #tpu.memory_space<hbm>>) dst(%dma_wait3A_160 : memref<128xi32, #tpu.memory_space<vmem>>)
    %dma_start3A_164 = arith.constant 1 : i32
    %dma_start3A_165 = arith.constant 1 : i32
    %dma_start3A_166 = arith.constant 1 : i32
    %dma_start3A_167 = arith.constant 0 : i32
    %dma_start3A_168 = arith.constant 0 : i32
    %dma_start3A_169 = tpu.memref_slice %arg7[%dma_start3A_165, %dma_start3A_167, %dma_start3A_168] : memref<5x128x128xf32, #tpu.memory_space<vmem>> -> memref<1x128x128xf32, #tpu.memory_space<vmem>>
    %dma_start3A_170 = tpu.memref_squeeze %dma_start3A_169 : memref<1x128x128xf32, #tpu.memory_space<vmem>> -> memref<128x128xf32, #tpu.memory_space<vmem>>
    %dma_start3A_171 = arith.constant 0 : i32
    %dma_start3A_172 = tpu.memref_slice %arg6[%dma_start3A_164, %dma_start3A_171] : memref<5x128xi32, #tpu.memory_space<vmem>> -> memref<1x128xi32, #tpu.memory_space<vmem>>
    %dma_start3A_173 = tpu.memref_squeeze %dma_start3A_172 : memref<1x128xi32, #tpu.memory_space<vmem>> -> memref<128xi32, #tpu.memory_space<vmem>>
    %dma_start3A_174 = arith.constant 0 : i32
    %dma_start3A_175 = arith.constant 0 : i32
    %dma_start3A_176 = tpu.memref_slice %arg3[%dma_start3A_174, %dma_start3A_175] : memref<500000x128xf32, #tpu.memory_space<hbm>> -> memref<500000x128xf32, #tpu.memory_space<hbm>>
    %dma_start3A_177 = tpu.memref_slice %arg11[%dma_start3A_166] : memref<5x!tpu.dma_semaphore, #tpu.memory_space<semaphore_mem>> -> memref<1x!tpu.dma_semaphore, #tpu.memory_space<semaphore_mem>>
    %dma_start3A_178 = tpu.memref_squeeze %dma_start3A_177 : memref<1x!tpu.dma_semaphore, #tpu.memory_space<semaphore_mem>> -> memref<!tpu.dma_semaphore, #tpu.memory_space<semaphore_mem>>
    tpu.enqueue_indirect_dma source(%dma_start3A_176 : memref<500000x128xf32, #tpu.memory_space<hbm>>) target(%dma_start3A_170 : memref<128x128xf32, #tpu.memory_space<vmem>>) offsets(%dma_start3A_173 : memref<128xi32, #tpu.memory_space<vmem>>) semaphore(%dma_start3A_178 : memref<!tpu.dma_semaphore, #tpu.memory_space<semaphore_mem>>)
    %add3A_179 = arith.constant 1 : i32
    %add3A_180 = arith.addi %mul3A_2, %add3A_179 : i32
    %dma_start3A_181 = arith.constant 1 : i32
    %dma_start3A_182 = arith.constant 1 : i32
    %dma_start3A_183 = arith.constant 0 : i32
    %dma_start3A_184 = arith.constant 0 : i32
    %dma_start3A_185 = tpu.memref_slice %arg8[%dma_start3A_181, %dma_start3A_183, %dma_start3A_184] : memref<5x16x128xf32, #tpu.memory_space<vmem>> -> memref<1x16x128xf32, #tpu.memory_space<vmem>>
    %dma_start3A_186 = tpu.memref_squeeze %dma_start3A_185 : memref<1x16x128xf32, #tpu.memory_space<vmem>> -> memref<16x128xf32, #tpu.memory_space<vmem>>
    %dma_start3A_187 = arith.constant 0 : i32
    %dma_start3A_188 = arith.constant 0 : i32
    %dma_start3A_189 = tpu.memref_slice %arg4[%add3A_180, %dma_start3A_187, %dma_start3A_188] : memref<6400x16x128xf32, #tpu.memory_space<hbm>> -> memref<1x16x128xf32, #tpu.memory_space<hbm>>
    %dma_start3A_190 = tpu.memref_squeeze %dma_start3A_189 : memref<1x16x128xf32, #tpu.memory_space<hbm>> -> memref<16x128xf32, #tpu.memory_space<hbm>>
    %dma_start3A_191 = tpu.memref_slice %arg12[%dma_start3A_182] : memref<5x!tpu.dma_semaphore, #tpu.memory_space<semaphore_mem>> -> memref<1x!tpu.dma_semaphore, #tpu.memory_space<semaphore_mem>>
    %dma_start3A_192 = tpu.memref_squeeze %dma_start3A_191 : memref<1x!tpu.dma_semaphore, #tpu.memory_space<semaphore_mem>> -> memref<!tpu.dma_semaphore, #tpu.memory_space<semaphore_mem>>
    %dma_start3A_193 = arith.constant 0 : i32
    %dma_start3A_194 = arith.constant 0 : i32
    %dma_start3A_195 = tpu.memref_slice %arg8[%dma_start3A_181, %dma_start3A_193, %dma_start3A_194] : memref<5x16x128xf32, #tpu.memory_space<vmem>> -> memref<1x16x128xf32, #tpu.memory_space<vmem>>
    %dma_start3A_196 = tpu.memref_squeeze %dma_start3A_195 : memref<1x16x128xf32, #tpu.memory_space<vmem>> -> memref<16x128xf32, #tpu.memory_space<vmem>>
    %dma_start3A_197 = arith.constant 0 : i32
    %dma_start3A_198 = arith.constant 0 : i32
    %dma_start3A_199 = tpu.memref_slice %arg4[%add3A_180, %dma_start3A_197, %dma_start3A_198] : memref<6400x16x128xf32, #tpu.memory_space<hbm>> -> memref<1x16x128xf32, #tpu.memory_space<hbm>>
    %dma_start3A_200 = tpu.memref_squeeze %dma_start3A_199 : memref<1x16x128xf32, #tpu.memory_space<hbm>> -> memref<16x128xf32, #tpu.memory_space<hbm>>
    tpu.enqueue_dma source(%dma_start3A_200 : memref<16x128xf32, #tpu.memory_space<hbm>>) target(%dma_start3A_196 : memref<16x128xf32, #tpu.memory_space<vmem>>) target_semaphore(%dma_start3A_192 : memref<!tpu.dma_semaphore, #tpu.memory_space<semaphore_mem>>)
    %add3A_201 = arith.constant 2 : i32
    %add3A_202 = arith.addi %mul3A_2, %add3A_201 : i32
    %dma_wait3A_203 = arith.constant 2 : i32
    %dma_wait3A_204 = arith.constant 2 : i32
    %dma_wait3A_205 = arith.constant 0 : i32
    %dma_wait3A_206 = tpu.memref_slice %arg6[%dma_wait3A_203, %dma_wait3A_205] : memref<5x128xi32, #tpu.memory_space<vmem>> -> memref<1x128xi32, #tpu.memory_space<vmem>>
    %dma_wait3A_207 = tpu.memref_squeeze %dma_wait3A_206 : memref<1x128xi32, #tpu.memory_space<vmem>> -> memref<128xi32, #tpu.memory_space<vmem>>
    %dma_wait3A_208 = arith.constant 0 : i32
    %dma_wait3A_209 = tpu.memref_slice %arg2[%add3A_202, %dma_wait3A_208] : memref<6400x128xi32, #tpu.memory_space<hbm>> -> memref<1x128xi32, #tpu.memory_space<hbm>>
    %dma_wait3A_210 = tpu.memref_squeeze %dma_wait3A_209 : memref<1x128xi32, #tpu.memory_space<hbm>> -> memref<128xi32, #tpu.memory_space<hbm>>
    %dma_wait3A_211 = tpu.memref_slice %arg10[%dma_wait3A_204] : memref<5x!tpu.dma_semaphore, #tpu.memory_space<semaphore_mem>> -> memref<1x!tpu.dma_semaphore, #tpu.memory_space<semaphore_mem>>
    %dma_wait3A_212 = tpu.memref_squeeze %dma_wait3A_211 : memref<1x!tpu.dma_semaphore, #tpu.memory_space<semaphore_mem>> -> memref<!tpu.dma_semaphore, #tpu.memory_space<semaphore_mem>>
    %dma_wait3A_213 = arith.constant 0 : i32
    %dma_wait3A_214 = tpu.memref_slice %arg6[%dma_wait3A_203, %dma_wait3A_213] : memref<5x128xi32, #tpu.memory_space<vmem>> -> memref<1x128xi32, #tpu.memory_space<vmem>>
    %dma_wait3A_215 = tpu.memref_squeeze %dma_wait3A_214 : memref<1x128xi32, #tpu.memory_space<vmem>> -> memref<128xi32, #tpu.memory_space<vmem>>
    %dma_wait3A_216 = arith.constant 0 : i32
    %dma_wait3A_217 = tpu.memref_slice %arg2[%add3A_202, %dma_wait3A_216] : memref<6400x128xi32, #tpu.memory_space<hbm>> -> memref<1x128xi32, #tpu.memory_space<hbm>>
    %dma_wait3A_218 = tpu.memref_squeeze %dma_wait3A_217 : memref<1x128xi32, #tpu.memory_space<hbm>> -> memref<128xi32, #tpu.memory_space<hbm>>
    tpu.wait_dma2 semaphore(%dma_wait3A_212 : memref<!tpu.dma_semaphore, #tpu.memory_space<semaphore_mem>>) src(%dma_wait3A_218 : memref<128xi32, #tpu.memory_space<hbm>>) dst(%dma_wait3A_215 : memref<128xi32, #tpu.memory_space<vmem>>)
    %dma_start3A_219 = arith.constant 2 : i32
    %dma_start3A_220 = arith.constant 2 : i32
    %dma_start3A_221 = arith.constant 2 : i32
    %dma_start3A_222 = arith.constant 0 : i32
    %dma_start3A_223 = arith.constant 0 : i32
    %dma_start3A_224 = tpu.memref_slice %arg7[%dma_start3A_220, %dma_start3A_222, %dma_start3A_223] : memref<5x128x128xf32, #tpu.memory_space<vmem>> -> memref<1x128x128xf32, #tpu.memory_space<vmem>>
    %dma_start3A_225 = tpu.memref_squeeze %dma_start3A_224 : memref<1x128x128xf32, #tpu.memory_space<vmem>> -> memref<128x128xf32, #tpu.memory_space<vmem>>
    %dma_start3A_226 = arith.constant 0 : i32
    %dma_start3A_227 = tpu.memref_slice %arg6[%dma_start3A_219, %dma_start3A_226] : memref<5x128xi32, #tpu.memory_space<vmem>> -> memref<1x128xi32, #tpu.memory_space<vmem>>
    %dma_start3A_228 = tpu.memref_squeeze %dma_start3A_227 : memref<1x128xi32, #tpu.memory_space<vmem>> -> memref<128xi32, #tpu.memory_space<vmem>>
    %dma_start3A_229 = arith.constant 0 : i32
    %dma_start3A_230 = arith.constant 0 : i32
    %dma_start3A_231 = tpu.memref_slice %arg3[%dma_start3A_229, %dma_start3A_230] : memref<500000x128xf32, #tpu.memory_space<hbm>> -> memref<500000x128xf32, #tpu.memory_space<hbm>>
    %dma_start3A_232 = tpu.memref_slice %arg11[%dma_start3A_221] : memref<5x!tpu.dma_semaphore, #tpu.memory_space<semaphore_mem>> -> memref<1x!tpu.dma_semaphore, #tpu.memory_space<semaphore_mem>>
    %dma_start3A_233 = tpu.memref_squeeze %dma_start3A_232 : memref<1x!tpu.dma_semaphore, #tpu.memory_space<semaphore_mem>> -> memref<!tpu.dma_semaphore, #tpu.memory_space<semaphore_mem>>
    tpu.enqueue_indirect_dma source(%dma_start3A_231 : memref<500000x128xf32, #tpu.memory_space<hbm>>) target(%dma_start3A_225 : memref<128x128xf32, #tpu.memory_space<vmem>>) offsets(%dma_start3A_228 : memref<128xi32, #tpu.memory_space<vmem>>) semaphore(%dma_start3A_233 : memref<!tpu.dma_semaphore, #tpu.memory_space<semaphore_mem>>)
    %add3A_234 = arith.constant 2 : i32
    %add3A_235 = arith.addi %mul3A_2, %add3A_234 : i32
    %dma_start3A_236 = arith.constant 2 : i32
    %dma_start3A_237 = arith.constant 2 : i32
    %dma_start3A_238 = arith.constant 0 : i32
    %dma_start3A_239 = arith.constant 0 : i32
    %dma_start3A_240 = tpu.memref_slice %arg8[%dma_start3A_236, %dma_start3A_238, %dma_start3A_239] : memref<5x16x128xf32, #tpu.memory_space<vmem>> -> memref<1x16x128xf32, #tpu.memory_space<vmem>>
    %dma_start3A_241 = tpu.memref_squeeze %dma_start3A_240 : memref<1x16x128xf32, #tpu.memory_space<vmem>> -> memref<16x128xf32, #tpu.memory_space<vmem>>
    %dma_start3A_242 = arith.constant 0 : i32
    %dma_start3A_243 = arith.constant 0 : i32
    %dma_start3A_244 = tpu.memref_slice %arg4[%add3A_235, %dma_start3A_242, %dma_start3A_243] : memref<6400x16x128xf32, #tpu.memory_space<hbm>> -> memref<1x16x128xf32, #tpu.memory_space<hbm>>
    %dma_start3A_245 = tpu.memref_squeeze %dma_start3A_244 : memref<1x16x128xf32, #tpu.memory_space<hbm>> -> memref<16x128xf32, #tpu.memory_space<hbm>>
    %dma_start3A_246 = tpu.memref_slice %arg12[%dma_start3A_237] : memref<5x!tpu.dma_semaphore, #tpu.memory_space<semaphore_mem>> -> memref<1x!tpu.dma_semaphore, #tpu.memory_space<semaphore_mem>>
    %dma_start3A_247 = tpu.memref_squeeze %dma_start3A_246 : memref<1x!tpu.dma_semaphore, #tpu.memory_space<semaphore_mem>> -> memref<!tpu.dma_semaphore, #tpu.memory_space<semaphore_mem>>
    %dma_start3A_248 = arith.constant 0 : i32
    %dma_start3A_249 = arith.constant 0 : i32
    %dma_start3A_250 = tpu.memref_slice %arg8[%dma_start3A_236, %dma_start3A_248, %dma_start3A_249] : memref<5x16x128xf32, #tpu.memory_space<vmem>> -> memref<1x16x128xf32, #tpu.memory_space<vmem>>
    %dma_start3A_251 = tpu.memref_squeeze %dma_start3A_250 : memref<1x16x128xf32, #tpu.memory_space<vmem>> -> memref<16x128xf32, #tpu.memory_space<vmem>>
    %dma_start3A_252 = arith.constant 0 : i32
    %dma_start3A_253 = arith.constant 0 : i32
    %dma_start3A_254 = tpu.memref_slice %arg4[%add3A_235, %dma_start3A_252, %dma_start3A_253] : memref<6400x16x128xf32, #tpu.memory_space<hbm>> -> memref<1x16x128xf32, #tpu.memory_space<hbm>>
    %dma_start3A_255 = tpu.memref_squeeze %dma_start3A_254 : memref<1x16x128xf32, #tpu.memory_space<hbm>> -> memref<16x128xf32, #tpu.memory_space<hbm>>
    tpu.enqueue_dma source(%dma_start3A_255 : memref<16x128xf32, #tpu.memory_space<hbm>>) target(%dma_start3A_251 : memref<16x128xf32, #tpu.memory_space<vmem>>) target_semaphore(%dma_start3A_247 : memref<!tpu.dma_semaphore, #tpu.memory_space<semaphore_mem>>)
    %add3A_256 = arith.constant 3 : i32
    %add3A_257 = arith.addi %mul3A_2, %add3A_256 : i32
    %dma_wait3A_258 = arith.constant 3 : i32
    %dma_wait3A_259 = arith.constant 3 : i32
    %dma_wait3A_260 = arith.constant 0 : i32
    %dma_wait3A_261 = tpu.memref_slice %arg6[%dma_wait3A_258, %dma_wait3A_260] : memref<5x128xi32, #tpu.memory_space<vmem>> -> memref<1x128xi32, #tpu.memory_space<vmem>>
    %dma_wait3A_262 = tpu.memref_squeeze %dma_wait3A_261 : memref<1x128xi32, #tpu.memory_space<vmem>> -> memref<128xi32, #tpu.memory_space<vmem>>
    %dma_wait3A_263 = arith.constant 0 : i32
    %dma_wait3A_264 = tpu.memref_slice %arg2[%add3A_257, %dma_wait3A_263] : memref<6400x128xi32, #tpu.memory_space<hbm>> -> memref<1x128xi32, #tpu.memory_space<hbm>>
    %dma_wait3A_265 = tpu.memref_squeeze %dma_wait3A_264 : memref<1x128xi32, #tpu.memory_space<hbm>> -> memref<128xi32, #tpu.memory_space<hbm>>
    %dma_wait3A_266 = tpu.memref_slice %arg10[%dma_wait3A_259] : memref<5x!tpu.dma_semaphore, #tpu.memory_space<semaphore_mem>> -> memref<1x!tpu.dma_semaphore, #tpu.memory_space<semaphore_mem>>
    %dma_wait3A_267 = tpu.memref_squeeze %dma_wait3A_266 : memref<1x!tpu.dma_semaphore, #tpu.memory_space<semaphore_mem>> -> memref<!tpu.dma_semaphore, #tpu.memory_space<semaphore_mem>>
    %dma_wait3A_268 = arith.constant 0 : i32
    %dma_wait3A_269 = tpu.memref_slice %arg6[%dma_wait3A_258, %dma_wait3A_268] : memref<5x128xi32, #tpu.memory_space<vmem>> -> memref<1x128xi32, #tpu.memory_space<vmem>>
    %dma_wait3A_270 = tpu.memref_squeeze %dma_wait3A_269 : memref<1x128xi32, #tpu.memory_space<vmem>> -> memref<128xi32, #tpu.memory_space<vmem>>
    %dma_wait3A_271 = arith.constant 0 : i32
    %dma_wait3A_272 = tpu.memref_slice %arg2[%add3A_257, %dma_wait3A_271] : memref<6400x128xi32, #tpu.memory_space<hbm>> -> memref<1x128xi32, #tpu.memory_space<hbm>>
    %dma_wait3A_273 = tpu.memref_squeeze %dma_wait3A_272 : memref<1x128xi32, #tpu.memory_space<hbm>> -> memref<128xi32, #tpu.memory_space<hbm>>
    tpu.wait_dma2 semaphore(%dma_wait3A_267 : memref<!tpu.dma_semaphore, #tpu.memory_space<semaphore_mem>>) src(%dma_wait3A_273 : memref<128xi32, #tpu.memory_space<hbm>>) dst(%dma_wait3A_270 : memref<128xi32, #tpu.memory_space<vmem>>)
    %dma_start3A_274 = arith.constant 3 : i32
    %dma_start3A_275 = arith.constant 3 : i32
    %dma_start3A_276 = arith.constant 3 : i32
    %dma_start3A_277 = arith.constant 0 : i32
    %dma_start3A_278 = arith.constant 0 : i32
    %dma_start3A_279 = tpu.memref_slice %arg7[%dma_start3A_275, %dma_start3A_277, %dma_start3A_278] : memref<5x128x128xf32, #tpu.memory_space<vmem>> -> memref<1x128x128xf32, #tpu.memory_space<vmem>>
    %dma_start3A_280 = tpu.memref_squeeze %dma_start3A_279 : memref<1x128x128xf32, #tpu.memory_space<vmem>> -> memref<128x128xf32, #tpu.memory_space<vmem>>
    %dma_start3A_281 = arith.constant 0 : i32
    %dma_start3A_282 = tpu.memref_slice %arg6[%dma_start3A_274, %dma_start3A_281] : memref<5x128xi32, #tpu.memory_space<vmem>> -> memref<1x128xi32, #tpu.memory_space<vmem>>
    %dma_start3A_283 = tpu.memref_squeeze %dma_start3A_282 : memref<1x128xi32, #tpu.memory_space<vmem>> -> memref<128xi32, #tpu.memory_space<vmem>>
    %dma_start3A_284 = arith.constant 0 : i32
    %dma_start3A_285 = arith.constant 0 : i32
    %dma_start3A_286 = tpu.memref_slice %arg3[%dma_start3A_284, %dma_start3A_285] : memref<500000x128xf32, #tpu.memory_space<hbm>> -> memref<500000x128xf32, #tpu.memory_space<hbm>>
    %dma_start3A_287 = tpu.memref_slice %arg11[%dma_start3A_276] : memref<5x!tpu.dma_semaphore, #tpu.memory_space<semaphore_mem>> -> memref<1x!tpu.dma_semaphore, #tpu.memory_space<semaphore_mem>>
    %dma_start3A_288 = tpu.memref_squeeze %dma_start3A_287 : memref<1x!tpu.dma_semaphore, #tpu.memory_space<semaphore_mem>> -> memref<!tpu.dma_semaphore, #tpu.memory_space<semaphore_mem>>
    tpu.enqueue_indirect_dma source(%dma_start3A_286 : memref<500000x128xf32, #tpu.memory_space<hbm>>) target(%dma_start3A_280 : memref<128x128xf32, #tpu.memory_space<vmem>>) offsets(%dma_start3A_283 : memref<128xi32, #tpu.memory_space<vmem>>) semaphore(%dma_start3A_288 : memref<!tpu.dma_semaphore, #tpu.memory_space<semaphore_mem>>)
    %add3A_289 = arith.constant 3 : i32
    %add3A_290 = arith.addi %mul3A_2, %add3A_289 : i32
    %dma_start3A_291 = arith.constant 3 : i32
    %dma_start3A_292 = arith.constant 3 : i32
    %dma_start3A_293 = arith.constant 0 : i32
    %dma_start3A_294 = arith.constant 0 : i32
    %dma_start3A_295 = tpu.memref_slice %arg8[%dma_start3A_291, %dma_start3A_293, %dma_start3A_294] : memref<5x16x128xf32, #tpu.memory_space<vmem>> -> memref<1x16x128xf32, #tpu.memory_space<vmem>>
    %dma_start3A_296 = tpu.memref_squeeze %dma_start3A_295 : memref<1x16x128xf32, #tpu.memory_space<vmem>> -> memref<16x128xf32, #tpu.memory_space<vmem>>
    %dma_start3A_297 = arith.constant 0 : i32
    %dma_start3A_298 = arith.constant 0 : i32
    %dma_start3A_299 = tpu.memref_slice %arg4[%add3A_290, %dma_start3A_297, %dma_start3A_298] : memref<6400x16x128xf32, #tpu.memory_space<hbm>> -> memref<1x16x128xf32, #tpu.memory_space<hbm>>
    %dma_start3A_300 = tpu.memref_squeeze %dma_start3A_299 : memref<1x16x128xf32, #tpu.memory_space<hbm>> -> memref<16x128xf32, #tpu.memory_space<hbm>>
    %dma_start3A_301 = tpu.memref_slice %arg12[%dma_start3A_292] : memref<5x!tpu.dma_semaphore, #tpu.memory_space<semaphore_mem>> -> memref<1x!tpu.dma_semaphore, #tpu.memory_space<semaphore_mem>>
    %dma_start3A_302 = tpu.memref_squeeze %dma_start3A_301 : memref<1x!tpu.dma_semaphore, #tpu.memory_space<semaphore_mem>> -> memref<!tpu.dma_semaphore, #tpu.memory_space<semaphore_mem>>
    %dma_start3A_303 = arith.constant 0 : i32
    %dma_start3A_304 = arith.constant 0 : i32
    %dma_start3A_305 = tpu.memref_slice %arg8[%dma_start3A_291, %dma_start3A_303, %dma_start3A_304] : memref<5x16x128xf32, #tpu.memory_space<vmem>> -> memref<1x16x128xf32, #tpu.memory_space<vmem>>
    %dma_start3A_306 = tpu.memref_squeeze %dma_start3A_305 : memref<1x16x128xf32, #tpu.memory_space<vmem>> -> memref<16x128xf32, #tpu.memory_space<vmem>>
    %dma_start3A_307 = arith.constant 0 : i32
    %dma_start3A_308 = arith.constant 0 : i32
    %dma_start3A_309 = tpu.memref_slice %arg4[%add3A_290, %dma_start3A_307, %dma_start3A_308] : memref<6400x16x128xf32, #tpu.memory_space<hbm>> -> memref<1x16x128xf32, #tpu.memory_space<hbm>>
    %dma_start3A_310 = tpu.memref_squeeze %dma_start3A_309 : memref<1x16x128xf32, #tpu.memory_space<hbm>> -> memref<16x128xf32, #tpu.memory_space<hbm>>
    tpu.enqueue_dma source(%dma_start3A_310 : memref<16x128xf32, #tpu.memory_space<hbm>>) target(%dma_start3A_306 : memref<16x128xf32, #tpu.memory_space<vmem>>) target_semaphore(%dma_start3A_302 : memref<!tpu.dma_semaphore, #tpu.memory_space<semaphore_mem>>)
    %add3A_311 = arith.constant 4 : i32
    %add3A_312 = arith.addi %mul3A_2, %add3A_311 : i32
    %dma_wait3A_313 = arith.constant 4 : i32
    %dma_wait3A_314 = arith.constant 4 : i32
    %dma_wait3A_315 = arith.constant 0 : i32
    %dma_wait3A_316 = tpu.memref_slice %arg6[%dma_wait3A_313, %dma_wait3A_315] : memref<5x128xi32, #tpu.memory_space<vmem>> -> memref<1x128xi32, #tpu.memory_space<vmem>>
    %dma_wait3A_317 = tpu.memref_squeeze %dma_wait3A_316 : memref<1x128xi32, #tpu.memory_space<vmem>> -> memref<128xi32, #tpu.memory_space<vmem>>
    %dma_wait3A_318 = arith.constant 0 : i32
    %dma_wait3A_319 = tpu.memref_slice %arg2[%add3A_312, %dma_wait3A_318] : memref<6400x128xi32, #tpu.memory_space<hbm>> -> memref<1x128xi32, #tpu.memory_space<hbm>>
    %dma_wait3A_320 = tpu.memref_squeeze %dma_wait3A_319 : memref<1x128xi32, #tpu.memory_space<hbm>> -> memref<128xi32, #tpu.memory_space<hbm>>
    %dma_wait3A_321 = tpu.memref_slice %arg10[%dma_wait3A_314] : memref<5x!tpu.dma_semaphore, #tpu.memory_space<semaphore_mem>> -> memref<1x!tpu.dma_semaphore, #tpu.memory_space<semaphore_mem>>
    %dma_wait3A_322 = tpu.memref_squeeze %dma_wait3A_321 : memref<1x!tpu.dma_semaphore, #tpu.memory_space<semaphore_mem>> -> memref<!tpu.dma_semaphore, #tpu.memory_space<semaphore_mem>>
    %dma_wait3A_323 = arith.constant 0 : i32
    %dma_wait3A_324 = tpu.memref_slice %arg6[%dma_wait3A_313, %dma_wait3A_323] : memref<5x128xi32, #tpu.memory_space<vmem>> -> memref<1x128xi32, #tpu.memory_space<vmem>>
    %dma_wait3A_325 = tpu.memref_squeeze %dma_wait3A_324 : memref<1x128xi32, #tpu.memory_space<vmem>> -> memref<128xi32, #tpu.memory_space<vmem>>
    %dma_wait3A_326 = arith.constant 0 : i32
    %dma_wait3A_327 = tpu.memref_slice %arg2[%add3A_312, %dma_wait3A_326] : memref<6400x128xi32, #tpu.memory_space<hbm>> -> memref<1x128xi32, #tpu.memory_space<hbm>>
    %dma_wait3A_328 = tpu.memref_squeeze %dma_wait3A_327 : memref<1x128xi32, #tpu.memory_space<hbm>> -> memref<128xi32, #tpu.memory_space<hbm>>
    tpu.wait_dma2 semaphore(%dma_wait3A_322 : memref<!tpu.dma_semaphore, #tpu.memory_space<semaphore_mem>>) src(%dma_wait3A_328 : memref<128xi32, #tpu.memory_space<hbm>>) dst(%dma_wait3A_325 : memref<128xi32, #tpu.memory_space<vmem>>)
    %dma_start3A_329 = arith.constant 4 : i32
    %dma_start3A_330 = arith.constant 4 : i32
    %dma_start3A_331 = arith.constant 4 : i32
    %dma_start3A_332 = arith.constant 0 : i32
    %dma_start3A_333 = arith.constant 0 : i32
    %dma_start3A_334 = tpu.memref_slice %arg7[%dma_start3A_330, %dma_start3A_332, %dma_start3A_333] : memref<5x128x128xf32, #tpu.memory_space<vmem>> -> memref<1x128x128xf32, #tpu.memory_space<vmem>>
    %dma_start3A_335 = tpu.memref_squeeze %dma_start3A_334 : memref<1x128x128xf32, #tpu.memory_space<vmem>> -> memref<128x128xf32, #tpu.memory_space<vmem>>
    %dma_start3A_336 = arith.constant 0 : i32
    %dma_start3A_337 = tpu.memref_slice %arg6[%dma_start3A_329, %dma_start3A_336] : memref<5x128xi32, #tpu.memory_space<vmem>> -> memref<1x128xi32, #tpu.memory_space<vmem>>
    %dma_start3A_338 = tpu.memref_squeeze %dma_start3A_337 : memref<1x128xi32, #tpu.memory_space<vmem>> -> memref<128xi32, #tpu.memory_space<vmem>>
    %dma_start3A_339 = arith.constant 0 : i32
    %dma_start3A_340 = arith.constant 0 : i32
    %dma_start3A_341 = tpu.memref_slice %arg3[%dma_start3A_339, %dma_start3A_340] : memref<500000x128xf32, #tpu.memory_space<hbm>> -> memref<500000x128xf32, #tpu.memory_space<hbm>>
    %dma_start3A_342 = tpu.memref_slice %arg11[%dma_start3A_331] : memref<5x!tpu.dma_semaphore, #tpu.memory_space<semaphore_mem>> -> memref<1x!tpu.dma_semaphore, #tpu.memory_space<semaphore_mem>>
    %dma_start3A_343 = tpu.memref_squeeze %dma_start3A_342 : memref<1x!tpu.dma_semaphore, #tpu.memory_space<semaphore_mem>> -> memref<!tpu.dma_semaphore, #tpu.memory_space<semaphore_mem>>
    tpu.enqueue_indirect_dma source(%dma_start3A_341 : memref<500000x128xf32, #tpu.memory_space<hbm>>) target(%dma_start3A_335 : memref<128x128xf32, #tpu.memory_space<vmem>>) offsets(%dma_start3A_338 : memref<128xi32, #tpu.memory_space<vmem>>) semaphore(%dma_start3A_343 : memref<!tpu.dma_semaphore, #tpu.memory_space<semaphore_mem>>)
    %add3A_344 = arith.constant 4 : i32
    %add3A_345 = arith.addi %mul3A_2, %add3A_344 : i32
    %dma_start3A_346 = arith.constant 4 : i32
    %dma_start3A_347 = arith.constant 4 : i32
    %dma_start3A_348 = arith.constant 0 : i32
    %dma_start3A_349 = arith.constant 0 : i32
    %dma_start3A_350 = tpu.memref_slice %arg8[%dma_start3A_346, %dma_start3A_348, %dma_start3A_349] : memref<5x16x128xf32, #tpu.memory_space<vmem>> -> memref<1x16x128xf32, #tpu.memory_space<vmem>>
    %dma_start3A_351 = tpu.memref_squeeze %dma_start3A_350 : memref<1x16x128xf32, #tpu.memory_space<vmem>> -> memref<16x128xf32, #tpu.memory_space<vmem>>
    %dma_start3A_352 = arith.constant 0 : i32
    %dma_start3A_353 = arith.constant 0 : i32
    %dma_start3A_354 = tpu.memref_slice %arg4[%add3A_345, %dma_start3A_352, %dma_start3A_353] : memref<6400x16x128xf32, #tpu.memory_space<hbm>> -> memref<1x16x128xf32, #tpu.memory_space<hbm>>
    %dma_start3A_355 = tpu.memref_squeeze %dma_start3A_354 : memref<1x16x128xf32, #tpu.memory_space<hbm>> -> memref<16x128xf32, #tpu.memory_space<hbm>>
    %dma_start3A_356 = tpu.memref_slice %arg12[%dma_start3A_347] : memref<5x!tpu.dma_semaphore, #tpu.memory_space<semaphore_mem>> -> memref<1x!tpu.dma_semaphore, #tpu.memory_space<semaphore_mem>>
    %dma_start3A_357 = tpu.memref_squeeze %dma_start3A_356 : memref<1x!tpu.dma_semaphore, #tpu.memory_space<semaphore_mem>> -> memref<!tpu.dma_semaphore, #tpu.memory_space<semaphore_mem>>
    %dma_start3A_358 = arith.constant 0 : i32
    %dma_start3A_359 = arith.constant 0 : i32
    %dma_start3A_360 = tpu.memref_slice %arg8[%dma_start3A_346, %dma_start3A_358, %dma_start3A_359] : memref<5x16x128xf32, #tpu.memory_space<vmem>> -> memref<1x16x128xf32, #tpu.memory_space<vmem>>
    %dma_start3A_361 = tpu.memref_squeeze %dma_start3A_360 : memref<1x16x128xf32, #tpu.memory_space<vmem>> -> memref<16x128xf32, #tpu.memory_space<vmem>>
    %dma_start3A_362 = arith.constant 0 : i32
    %dma_start3A_363 = arith.constant 0 : i32
    %dma_start3A_364 = tpu.memref_slice %arg4[%add3A_345, %dma_start3A_362, %dma_start3A_363] : memref<6400x16x128xf32, #tpu.memory_space<hbm>> -> memref<1x16x128xf32, #tpu.memory_space<hbm>>
    %dma_start3A_365 = tpu.memref_squeeze %dma_start3A_364 : memref<1x16x128xf32, #tpu.memory_space<hbm>> -> memref<16x128xf32, #tpu.memory_space<hbm>>
    tpu.enqueue_dma source(%dma_start3A_365 : memref<16x128xf32, #tpu.memory_space<hbm>>) target(%dma_start3A_361 : memref<16x128xf32, #tpu.memory_space<vmem>>) target_semaphore(%dma_start3A_357 : memref<!tpu.dma_semaphore, #tpu.memory_space<semaphore_mem>>)
    %scan3A = arith.constant 0 : i32
    %scan3A_366 = arith.constant 0 : i32
    %scan3A_367 = arith.constant 200 : i32
    %scan3A_368 = arith.addi %scan3A_366, %scan3A_367 : i32
    %scan3A_369 = arith.constant 1 : i32
    scf.for %scan3A_411 = %scan3A_366 to %scan3A_368 step %scan3A_369  : i32 {
      %rem3A = arith.constant 5 : i32
      %rem3A_412 = arith.remsi %scan3A_411, %rem3A : i32
      %rem3A_413 = arith.constant 2 : i32
      %rem3A_414 = arith.remsi %scan3A_411, %rem3A_413 : i32
      %dma_wait3A_415 = arith.constant 0 : i32
      %dma_wait3A_416 = arith.constant 0 : i32
      %dma_wait3A_417 = tpu.memref_slice %arg7[%rem3A_412, %dma_wait3A_415, %dma_wait3A_416] : memref<5x128x128xf32, #tpu.memory_space<vmem>> -> memref<1x128x128xf32, #tpu.memory_space<vmem>>
      %dma_wait3A_418 = tpu.memref_squeeze %dma_wait3A_417 : memref<1x128x128xf32, #tpu.memory_space<vmem>> -> memref<128x128xf32, #tpu.memory_space<vmem>>
      %dma_wait3A_419 = arith.constant 0 : i32
      %dma_wait3A_420 = tpu.memref_slice %arg6[%rem3A_412, %dma_wait3A_419] : memref<5x128xi32, #tpu.memory_space<vmem>> -> memref<1x128xi32, #tpu.memory_space<vmem>>
      %dma_wait3A_421 = tpu.memref_squeeze %dma_wait3A_420 : memref<1x128xi32, #tpu.memory_space<vmem>> -> memref<128xi32, #tpu.memory_space<vmem>>
      %dma_wait3A_422 = arith.constant 0 : i32
      %dma_wait3A_423 = arith.constant 0 : i32
      %dma_wait3A_424 = tpu.memref_slice %arg3[%dma_wait3A_422, %dma_wait3A_423] : memref<500000x128xf32, #tpu.memory_space<hbm>> -> memref<500000x128xf32, #tpu.memory_space<hbm>>
      %dma_wait3A_425 = tpu.memref_slice %arg11[%rem3A_412] : memref<5x!tpu.dma_semaphore, #tpu.memory_space<semaphore_mem>> -> memref<1x!tpu.dma_semaphore, #tpu.memory_space<semaphore_mem>>
      %dma_wait3A_426 = tpu.memref_squeeze %dma_wait3A_425 : memref<1x!tpu.dma_semaphore, #tpu.memory_space<semaphore_mem>> -> memref<!tpu.dma_semaphore, #tpu.memory_space<semaphore_mem>>
      tpu.wait_indirect_dma semaphore(%dma_wait3A_426 : memref<!tpu.dma_semaphore, #tpu.memory_space<semaphore_mem>>) src(%dma_wait3A_424 : memref<500000x128xf32, #tpu.memory_space<hbm>>) dst(%dma_wait3A_418 : memref<128x128xf32, #tpu.memory_space<vmem>>)
      %add3A_427 = arith.addi %mul3A_2, %scan3A_411 : i32
      %dma_wait3A_428 = arith.constant 0 : i32
      %dma_wait3A_429 = arith.constant 0 : i32
      %dma_wait3A_430 = tpu.memref_slice %arg8[%rem3A_412, %dma_wait3A_428, %dma_wait3A_429] : memref<5x16x128xf32, #tpu.memory_space<vmem>> -> memref<1x16x128xf32, #tpu.memory_space<vmem>>
      %dma_wait3A_431 = tpu.memref_squeeze %dma_wait3A_430 : memref<1x16x128xf32, #tpu.memory_space<vmem>> -> memref<16x128xf32, #tpu.memory_space<vmem>>
      %dma_wait3A_432 = arith.constant 0 : i32
      %dma_wait3A_433 = arith.constant 0 : i32
      %dma_wait3A_434 = tpu.memref_slice %arg4[%add3A_427, %dma_wait3A_432, %dma_wait3A_433] : memref<6400x16x128xf32, #tpu.memory_space<hbm>> -> memref<1x16x128xf32, #tpu.memory_space<hbm>>
      %dma_wait3A_435 = tpu.memref_squeeze %dma_wait3A_434 : memref<1x16x128xf32, #tpu.memory_space<hbm>> -> memref<16x128xf32, #tpu.memory_space<hbm>>
      %dma_wait3A_436 = tpu.memref_slice %arg12[%rem3A_412] : memref<5x!tpu.dma_semaphore, #tpu.memory_space<semaphore_mem>> -> memref<1x!tpu.dma_semaphore, #tpu.memory_space<semaphore_mem>>
      %dma_wait3A_437 = tpu.memref_squeeze %dma_wait3A_436 : memref<1x!tpu.dma_semaphore, #tpu.memory_space<semaphore_mem>> -> memref<!tpu.dma_semaphore, #tpu.memory_space<semaphore_mem>>
      %dma_wait3A_438 = arith.constant 0 : i32
      %dma_wait3A_439 = arith.constant 0 : i32
      %dma_wait3A_440 = tpu.memref_slice %arg8[%rem3A_412, %dma_wait3A_438, %dma_wait3A_439] : memref<5x16x128xf32, #tpu.memory_space<vmem>> -> memref<1x16x128xf32, #tpu.memory_space<vmem>>
      %dma_wait3A_441 = tpu.memref_squeeze %dma_wait3A_440 : memref<1x16x128xf32, #tpu.memory_space<vmem>> -> memref<16x128xf32, #tpu.memory_space<vmem>>
      %dma_wait3A_442 = arith.constant 0 : i32
      %dma_wait3A_443 = arith.constant 0 : i32
      %dma_wait3A_444 = tpu.memref_slice %arg4[%add3A_427, %dma_wait3A_442, %dma_wait3A_443] : memref<6400x16x128xf32, #tpu.memory_space<hbm>> -> memref<1x16x128xf32, #tpu.memory_space<hbm>>
      %dma_wait3A_445 = tpu.memref_squeeze %dma_wait3A_444 : memref<1x16x128xf32, #tpu.memory_space<hbm>> -> memref<16x128xf32, #tpu.memory_space<hbm>>
      tpu.wait_dma2 semaphore(%dma_wait3A_437 : memref<!tpu.dma_semaphore, #tpu.memory_space<semaphore_mem>>) src(%dma_wait3A_445 : memref<16x128xf32, #tpu.memory_space<hbm>>) dst(%dma_wait3A_441 : memref<16x128xf32, #tpu.memory_space<vmem>>)
      %add3A_446 = arith.constant 5 : i32
      %add3A_447 = arith.addi %scan3A_411, %add3A_446 : i32
      %lt3A = arith.constant 200 : i32
      %lt3A_448 = arith.cmpi slt, %add3A_447, %lt3A : i32
      %convert_element_type3A = arith.extui %lt3A_448 : i1 to i32
      %cond3A = arith.constant 0 : i32
      %cond3A_449 = arith.cmpi ne, %convert_element_type3A, %cond3A : i32
      scf.if %cond3A_449 {
        %add3A_484 = arith.constant 5 : i32
        %add3A_485 = arith.addi %scan3A_411, %add3A_484 : i32
        %add3A_486 = arith.addi %mul3A_2, %add3A_485 : i32
        %dma_start3A_487 = arith.constant 0 : i32
        %dma_start3A_488 = tpu.memref_slice %arg6[%rem3A_412, %dma_start3A_487] : memref<5x128xi32, #tpu.memory_space<vmem>> -> memref<1x128xi32, #tpu.memory_space<vmem>>
        %dma_start3A_489 = tpu.memref_squeeze %dma_start3A_488 : memref<1x128xi32, #tpu.memory_space<vmem>> -> memref<128xi32, #tpu.memory_space<vmem>>
        %dma_start3A_490 = arith.constant 0 : i32
        %dma_start3A_491 = tpu.memref_slice %arg2[%add3A_486, %dma_start3A_490] : memref<6400x128xi32, #tpu.memory_space<hbm>> -> memref<1x128xi32, #tpu.memory_space<hbm>>
        %dma_start3A_492 = tpu.memref_squeeze %dma_start3A_491 : memref<1x128xi32, #tpu.memory_space<hbm>> -> memref<128xi32, #tpu.memory_space<hbm>>
        %dma_start3A_493 = tpu.memref_slice %arg10[%rem3A_412] : memref<5x!tpu.dma_semaphore, #tpu.memory_space<semaphore_mem>> -> memref<1x!tpu.dma_semaphore, #tpu.memory_space<semaphore_mem>>
        %dma_start3A_494 = tpu.memref_squeeze %dma_start3A_493 : memref<1x!tpu.dma_semaphore, #tpu.memory_space<semaphore_mem>> -> memref<!tpu.dma_semaphore, #tpu.memory_space<semaphore_mem>>
        %dma_start3A_495 = arith.constant 0 : i32
        %dma_start3A_496 = tpu.memref_slice %arg6[%rem3A_412, %dma_start3A_495] : memref<5x128xi32, #tpu.memory_space<vmem>> -> memref<1x128xi32, #tpu.memory_space<vmem>>
        %dma_start3A_497 = tpu.memref_squeeze %dma_start3A_496 : memref<1x128xi32, #tpu.memory_space<vmem>> -> memref<128xi32, #tpu.memory_space<vmem>>
        %dma_start3A_498 = arith.constant 0 : i32
        %dma_start3A_499 = tpu.memref_slice %arg2[%add3A_486, %dma_start3A_498] : memref<6400x128xi32, #tpu.memory_space<hbm>> -> memref<1x128xi32, #tpu.memory_space<hbm>>
        %dma_start3A_500 = tpu.memref_squeeze %dma_start3A_499 : memref<1x128xi32, #tpu.memory_space<hbm>> -> memref<128xi32, #tpu.memory_space<hbm>>
        tpu.enqueue_dma source(%dma_start3A_500 : memref<128xi32, #tpu.memory_space<hbm>>) target(%dma_start3A_497 : memref<128xi32, #tpu.memory_space<vmem>>) target_semaphore(%dma_start3A_494 : memref<!tpu.dma_semaphore, #tpu.memory_space<semaphore_mem>>)
      } else {
      }
      %ge3A = arith.constant 2 : i32
      %ge3A_450 = arith.cmpi sge, %scan3A_411, %ge3A : i32
      %convert_element_type3A_451 = arith.extui %ge3A_450 : i1 to i32
      %cond3A_452 = arith.constant 0 : i32
      %cond3A_453 = arith.cmpi ne, %convert_element_type3A_451, %cond3A_452 : i32
      scf.if %cond3A_453 {
        %sub3A = arith.constant 2 : i32
        %sub3A_484 = arith.subi %scan3A_411, %sub3A : i32
        %add3A_485 = arith.addi %mul3A_2, %sub3A_484 : i32
        %mul3A_486 = arith.constant 128 : i32
        %mul3A_487 = arith.muli %add3A_485, %mul3A_486 : i32
        %dma_wait3A_488 = arith.constant 0 : i32
        %dma_wait3A_489 = arith.constant 0 : i32
        %dma_wait3A_490 = tpu.memref_slice %arg9[%rem3A_414, %dma_wait3A_488, %dma_wait3A_489] : memref<2x128x64xf32, #tpu.memory_space<vmem>> -> memref<1x128x64xf32, #tpu.memory_space<vmem>>
        %dma_wait3A_491 = tpu.memref_squeeze %dma_wait3A_490 : memref<1x128x64xf32, #tpu.memory_space<vmem>> -> memref<128x64xf32, #tpu.memory_space<vmem>>
        %dma_wait3A_492 = arith.constant 0 : i32
        %dma_wait3A_493 = tpu.memref_slice %arg5[%mul3A_487, %dma_wait3A_492] : memref<819200x64xf32, #tpu.memory_space<hbm>> -> memref<128x64xf32, #tpu.memory_space<hbm>>
        %dma_wait3A_494 = tpu.memref_slice %arg13[%rem3A_414] : memref<2x!tpu.dma_semaphore, #tpu.memory_space<semaphore_mem>> -> memref<1x!tpu.dma_semaphore, #tpu.memory_space<semaphore_mem>>
        %dma_wait3A_495 = tpu.memref_squeeze %dma_wait3A_494 : memref<1x!tpu.dma_semaphore, #tpu.memory_space<semaphore_mem>> -> memref<!tpu.dma_semaphore, #tpu.memory_space<semaphore_mem>>
        %dma_wait3A_496 = arith.constant 0 : i32
        %dma_wait3A_497 = tpu.memref_slice %arg5[%mul3A_487, %dma_wait3A_496] : memref<819200x64xf32, #tpu.memory_space<hbm>> -> memref<128x64xf32, #tpu.memory_space<hbm>>
        %dma_wait3A_498 = arith.constant 0 : i32
        %dma_wait3A_499 = arith.constant 0 : i32
        %dma_wait3A_500 = tpu.memref_slice %arg9[%rem3A_414, %dma_wait3A_498, %dma_wait3A_499] : memref<2x128x64xf32, #tpu.memory_space<vmem>> -> memref<1x128x64xf32, #tpu.memory_space<vmem>>
        %dma_wait3A_501 = tpu.memref_squeeze %dma_wait3A_500 : memref<1x128x64xf32, #tpu.memory_space<vmem>> -> memref<128x64xf32, #tpu.memory_space<vmem>>
        tpu.wait_dma2 semaphore(%dma_wait3A_495 : memref<!tpu.dma_semaphore, #tpu.memory_space<semaphore_mem>>) src(%dma_wait3A_501 : memref<128x64xf32, #tpu.memory_space<vmem>>) dst(%dma_wait3A_497 : memref<128x64xf32, #tpu.memory_space<hbm>>)
      } else {
      }
      %scan3A_454 = arith.constant 0 : i32
      %scan3A_455 = arith.constant 0 : i32
      %scan3A_456 = arith.constant 16 : i32
      %scan3A_457 = arith.addi %scan3A_455, %scan3A_456 : i32
      %scan3A_458 = arith.constant 1 : i32
      scf.for %scan3A_484 = %scan3A_455 to %scan3A_457 step %scan3A_458  : i32 {
        %mul3A_485 = arith.constant 8 : i32
        %mul3A_486 = arith.muli %scan3A_484, %mul3A_485 : i32
        %add3A_487 = arith.constant 0 : i32
        %add3A_488 = arith.addi %mul3A_486, %add3A_487 : i32
        %get3A = arith.index_cast %rem3A_412 : i32 to index
        %get3A_489 = arith.index_cast %scan3A_484 : i32 to index
        %get3A_490 = arith.constant 0 : index
        %get3A_491 = tpu.vector_load %arg8[%get3A, %get3A_489, %get3A_490] {strides = array<i32>} : memref<5x16x128xf32, #tpu.memory_space<vmem>>, vector<1x1x16xf32>,
        %get3A_492 = vector.shape_cast %get3A_491 : vector<1x1x16xf32> to vector<16xf32>
        %get3A_493 = arith.index_cast %rem3A_412 : i32 to index
        %get3A_494 = arith.index_cast %add3A_488 : i32 to index
        %get3A_495 = arith.constant 0 : index
        %get3A_496 = tpu.vector_load %arg7[%get3A_493, %get3A_494, %get3A_495] {strides = array<i32>} : memref<5x128x128xf32, #tpu.memory_space<vmem>>, vector<1x1x16xf32>,
        %get3A_497 = vector.shape_cast %get3A_496 : vector<1x1x16xf32> to vector<16xf32>
        %get3A_498 = arith.index_cast %rem3A_412 : i32 to index
        %get3A_499 = arith.index_cast %add3A_488 : i32 to index
        %get3A_500 = arith.constant 64 : index
        %get3A_501 = tpu.vector_load %arg7[%get3A_498, %get3A_499, %get3A_500] {strides = array<i32>} : memref<5x128x128xf32, #tpu.memory_space<vmem>>, vector<1x1x16xf32>,
        %get3A_502 = vector.shape_cast %get3A_501 : vector<1x1x16xf32> to vector<16xf32>
        %mul3A_503 = arith.constant 8.000000e+00 : f32
        %mul3A_504 = vector.broadcast %mul3A_503 : f32 to vector<16xf32>
        %mul3A_505 = arith.mulf %get3A_497, %mul3A_504 : vector<16xf32>
        %sub3A = arith.subf %get3A_502, %get3A_497 : vector<16xf32>
        %mul3A_506 = arith.mulf %sub3A, %get3A_492 : vector<16xf32>
        %add3A_507 = arith.addf %mul3A_505, %mul3A_506 : vector<16xf32>
        %swap3A = arith.index_cast %rem3A_414 : i32 to index
        %swap3A_508 = arith.index_cast %add3A_488 : i32 to index
        %swap3A_509 = arith.constant 0 : index
        %swap3A_510 = tpu.vector_load %arg9[%swap3A, %swap3A_508, %swap3A_509] {strides = array<i32>} : memref<2x128x64xf32, #tpu.memory_space<vmem>>, vector<1x1x16xf32>,
        %swap3A_511 = vector.shape_cast %swap3A_510 : vector<1x1x16xf32> to vector<16xf32>
        %swap3A_512 = vector.shape_cast %add3A_507 : vector<16xf32> to vector<1x1x16xf32>
        tpu.vector_store %arg9[%swap3A, %swap3A_508, %swap3A_509], %swap3A_512 {strides = array<i32>} : memref<2x128x64xf32, #tpu.memory_space<vmem>>, vector<1x1x16xf32>,
        %get3A_513 = arith.index_cast %rem3A_412 : i32 to index
        %get3A_514 = arith.index_cast %add3A_488 : i32 to index
        %get3A_515 = arith.constant 16 : index
        %get3A_516 = tpu.vector_load %arg7[%get3A_513, %get3A_514, %get3A_515] {strides = array<i32>} : memref<5x128x128xf32, #tpu.memory_space<vmem>>, vector<1x1x16xf32>,
        %get3A_517 = vector.shape_cast %get3A_516 : vector<1x1x16xf32> to vector<16xf32>
        %get3A_518 = arith.index_cast %rem3A_412 : i32 to index
        %get3A_519 = arith.index_cast %add3A_488 : i32 to index
        %get3A_520 = arith.constant 80 : index
        %get3A_521 = tpu.vector_load %arg7[%get3A_518, %get3A_519, %get3A_520] {strides = array<i32>} : memref<5x128x128xf32, #tpu.memory_space<vmem>>, vector<1x1x16xf32>,
        %get3A_522 = vector.shape_cast %get3A_521 : vector<1x1x16xf32> to vector<16xf32>
        %mul3A_523 = arith.constant 8.000000e+00 : f32
        %mul3A_524 = vector.broadcast %mul3A_523 : f32 to vector<16xf32>
        %mul3A_525 = arith.mulf %get3A_517, %mul3A_524 : vector<16xf32>
        %sub3A_526 = arith.subf %get3A_522, %get3A_517 : vector<16xf32>
        %mul3A_527 = arith.mulf %sub3A_526, %get3A_492 : vector<16xf32>
        %add3A_528 = arith.addf %mul3A_525, %mul3A_527 : vector<16xf32>
        %swap3A_529 = arith.index_cast %rem3A_414 : i32 to index
        %swap3A_530 = arith.index_cast %add3A_488 : i32 to index
        %swap3A_531 = arith.constant 16 : index
        %swap3A_532 = tpu.vector_load %arg9[%swap3A_529, %swap3A_530, %swap3A_531] {strides = array<i32>} : memref<2x128x64xf32, #tpu.memory_space<vmem>>, vector<1x1x16xf32>,
        %swap3A_533 = vector.shape_cast %swap3A_532 : vector<1x1x16xf32> to vector<16xf32>
        %swap3A_534 = vector.shape_cast %add3A_528 : vector<16xf32> to vector<1x1x16xf32>
        tpu.vector_store %arg9[%swap3A_529, %swap3A_530, %swap3A_531], %swap3A_534 {strides = array<i32>} : memref<2x128x64xf32, #tpu.memory_space<vmem>>, vector<1x1x16xf32>,
        %get3A_535 = arith.index_cast %rem3A_412 : i32 to index
        %get3A_536 = arith.index_cast %add3A_488 : i32 to index
        %get3A_537 = arith.constant 32 : index
        %get3A_538 = tpu.vector_load %arg7[%get3A_535, %get3A_536, %get3A_537] {strides = array<i32>} : memref<5x128x128xf32, #tpu.memory_space<vmem>>, vector<1x1x16xf32>,
        %get3A_539 = vector.shape_cast %get3A_538 : vector<1x1x16xf32> to vector<16xf32>
        %get3A_540 = arith.index_cast %rem3A_412 : i32 to index
        %get3A_541 = arith.index_cast %add3A_488 : i32 to index
        %get3A_542 = arith.constant 96 : index
        %get3A_543 = tpu.vector_load %arg7[%get3A_540, %get3A_541, %get3A_542] {strides = array<i32>} : memref<5x128x128xf32, #tpu.memory_space<vmem>>, vector<1x1x16xf32>,
        %get3A_544 = vector.shape_cast %get3A_543 : vector<1x1x16xf32> to vector<16xf32>
        %mul3A_545 = arith.constant 8.000000e+00 : f32
        %mul3A_546 = vector.broadcast %mul3A_545 : f32 to vector<16xf32>
        %mul3A_547 = arith.mulf %get3A_539, %mul3A_546 : vector<16xf32>
        %sub3A_548 = arith.subf %get3A_544, %get3A_539 : vector<16xf32>
        %mul3A_549 = arith.mulf %sub3A_548, %get3A_492 : vector<16xf32>
        %add3A_550 = arith.addf %mul3A_547, %mul3A_549 : vector<16xf32>
        %swap3A_551 = arith.index_cast %rem3A_414 : i32 to index
        %swap3A_552 = arith.index_cast %add3A_488 : i32 to index
        %swap3A_553 = arith.constant 32 : index
        %swap3A_554 = tpu.vector_load %arg9[%swap3A_551, %swap3A_552, %swap3A_553] {strides = array<i32>} : memref<2x128x64xf32, #tpu.memory_space<vmem>>, vector<1x1x16xf32>,
        %swap3A_555 = vector.shape_cast %swap3A_554 : vector<1x1x16xf32> to vector<16xf32>
        %swap3A_556 = vector.shape_cast %add3A_550 : vector<16xf32> to vector<1x1x16xf32>
        tpu.vector_store %arg9[%swap3A_551, %swap3A_552, %swap3A_553], %swap3A_556 {strides = array<i32>} : memref<2x128x64xf32, #tpu.memory_space<vmem>>, vector<1x1x16xf32>,
        %get3A_557 = arith.index_cast %rem3A_412 : i32 to index
        %get3A_558 = arith.index_cast %add3A_488 : i32 to index
        %get3A_559 = arith.constant 48 : index
        %get3A_560 = tpu.vector_load %arg7[%get3A_557, %get3A_558, %get3A_559] {strides = array<i32>} : memref<5x128x128xf32, #tpu.memory_space<vmem>>, vector<1x1x16xf32>,
        %get3A_561 = vector.shape_cast %get3A_560 : vector<1x1x16xf32> to vector<16xf32>
        %get3A_562 = arith.index_cast %rem3A_412 : i32 to index
        %get3A_563 = arith.index_cast %add3A_488 : i32 to index
        %get3A_564 = arith.constant 112 : index
        %get3A_565 = tpu.vector_load %arg7[%get3A_562, %get3A_563, %get3A_564] {strides = array<i32>} : memref<5x128x128xf32, #tpu.memory_space<vmem>>, vector<1x1x16xf32>,
        %get3A_566 = vector.shape_cast %get3A_565 : vector<1x1x16xf32> to vector<16xf32>
        %mul3A_567 = arith.constant 8.000000e+00 : f32
        %mul3A_568 = vector.broadcast %mul3A_567 : f32 to vector<16xf32>
        %mul3A_569 = arith.mulf %get3A_561, %mul3A_568 : vector<16xf32>
        %sub3A_570 = arith.subf %get3A_566, %get3A_561 : vector<16xf32>
        %mul3A_571 = arith.mulf %sub3A_570, %get3A_492 : vector<16xf32>
        %add3A_572 = arith.addf %mul3A_569, %mul3A_571 : vector<16xf32>
        %swap3A_573 = arith.index_cast %rem3A_414 : i32 to index
        %swap3A_574 = arith.index_cast %add3A_488 : i32 to index
        %swap3A_575 = arith.constant 48 : index
        %swap3A_576 = tpu.vector_load %arg9[%swap3A_573, %swap3A_574, %swap3A_575] {strides = array<i32>} : memref<2x128x64xf32, #tpu.memory_space<vmem>>, vector<1x1x16xf32>,
        %swap3A_577 = vector.shape_cast %swap3A_576 : vector<1x1x16xf32> to vector<16xf32>
        %swap3A_578 = vector.shape_cast %add3A_572 : vector<16xf32> to vector<1x1x16xf32>
        tpu.vector_store %arg9[%swap3A_573, %swap3A_574, %swap3A_575], %swap3A_578 {strides = array<i32>} : memref<2x128x64xf32, #tpu.memory_space<vmem>>, vector<1x1x16xf32>,
        %mul3A_579 = arith.constant 8 : i32
        %mul3A_580 = arith.muli %scan3A_484, %mul3A_579 : i32
        %add3A_581 = arith.constant 1 : i32
        %add3A_582 = arith.addi %mul3A_580, %add3A_581 : i32
        %get3A_583 = arith.index_cast %rem3A_412 : i32 to index
        %get3A_584 = arith.index_cast %scan3A_484 : i32 to index
        %get3A_585 = arith.constant 16 : index
        %get3A_586 = tpu.vector_load %arg8[%get3A_583, %get3A_584, %get3A_585] {strides = array<i32>} : memref<5x16x128xf32, #tpu.memory_space<vmem>>, vector<1x1x16xf32>,
        %get3A_587 = vector.shape_cast %get3A_586 : vector<1x1x16xf32> to vector<16xf32>
        %get3A_588 = arith.index_cast %rem3A_412 : i32 to index
        %get3A_589 = arith.index_cast %add3A_582 : i32 to index
        %get3A_590 = arith.constant 0 : index
        %get3A_591 = tpu.vector_load %arg7[%get3A_588, %get3A_589, %get3A_590] {strides = array<i32>} : memref<5x128x128xf32, #tpu.memory_space<vmem>>, vector<1x1x16xf32>,
        %get3A_592 = vector.shape_cast %get3A_591 : vector<1x1x16xf32> to vector<16xf32>
        %get3A_593 = arith.index_cast %rem3A_412 : i32 to index
        %get3A_594 = arith.index_cast %add3A_582 : i32 to index
        %get3A_595 = arith.constant 64 : index
        %get3A_596 = tpu.vector_load %arg7[%get3A_593, %get3A_594, %get3A_595] {strides = array<i32>} : memref<5x128x128xf32, #tpu.memory_space<vmem>>, vector<1x1x16xf32>,
        %get3A_597 = vector.shape_cast %get3A_596 : vector<1x1x16xf32> to vector<16xf32>
        %mul3A_598 = arith.constant 8.000000e+00 : f32
        %mul3A_599 = vector.broadcast %mul3A_598 : f32 to vector<16xf32>
        %mul3A_600 = arith.mulf %get3A_592, %mul3A_599 : vector<16xf32>
        %sub3A_601 = arith.subf %get3A_597, %get3A_592 : vector<16xf32>
        %mul3A_602 = arith.mulf %sub3A_601, %get3A_587 : vector<16xf32>
        %add3A_603 = arith.addf %mul3A_600, %mul3A_602 : vector<16xf32>
        %swap3A_604 = arith.index_cast %rem3A_414 : i32 to index
        %swap3A_605 = arith.index_cast %add3A_582 : i32 to index
        %swap3A_606 = arith.constant 0 : index
        %swap3A_607 = tpu.vector_load %arg9[%swap3A_604, %swap3A_605, %swap3A_606] {strides = array<i32>} : memref<2x128x64xf32, #tpu.memory_space<vmem>>, vector<1x1x16xf32>,
        %swap3A_608 = vector.shape_cast %swap3A_607 : vector<1x1x16xf32> to vector<16xf32>
        %swap3A_609 = vector.shape_cast %add3A_603 : vector<16xf32> to vector<1x1x16xf32>
        tpu.vector_store %arg9[%swap3A_604, %swap3A_605, %swap3A_606], %swap3A_609 {strides = array<i32>} : memref<2x128x64xf32, #tpu.memory_space<vmem>>, vector<1x1x16xf32>,
        %get3A_610 = arith.index_cast %rem3A_412 : i32 to index
        %get3A_611 = arith.index_cast %add3A_582 : i32 to index
        %get3A_612 = arith.constant 16 : index
        %get3A_613 = tpu.vector_load %arg7[%get3A_610, %get3A_611, %get3A_612] {strides = array<i32>} : memref<5x128x128xf32, #tpu.memory_space<vmem>>, vector<1x1x16xf32>,
        %get3A_614 = vector.shape_cast %get3A_613 : vector<1x1x16xf32> to vector<16xf32>
        %get3A_615 = arith.index_cast %rem3A_412 : i32 to index
        %get3A_616 = arith.index_cast %add3A_582 : i32 to index
        %get3A_617 = arith.constant 80 : index
        %get3A_618 = tpu.vector_load %arg7[%get3A_615, %get3A_616, %get3A_617] {strides = array<i32>} : memref<5x128x128xf32, #tpu.memory_space<vmem>>, vector<1x1x16xf32>,
        %get3A_619 = vector.shape_cast %get3A_618 : vector<1x1x16xf32> to vector<16xf32>
        %mul3A_620 = arith.constant 8.000000e+00 : f32
        %mul3A_621 = vector.broadcast %mul3A_620 : f32 to vector<16xf32>
        %mul3A_622 = arith.mulf %get3A_614, %mul3A_621 : vector<16xf32>
        %sub3A_623 = arith.subf %get3A_619, %get3A_614 : vector<16xf32>
        %mul3A_624 = arith.mulf %sub3A_623, %get3A_587 : vector<16xf32>
        %add3A_625 = arith.addf %mul3A_622, %mul3A_624 : vector<16xf32>
        %swap3A_626 = arith.index_cast %rem3A_414 : i32 to index
        %swap3A_627 = arith.index_cast %add3A_582 : i32 to index
        %swap3A_628 = arith.constant 16 : index
        %swap3A_629 = tpu.vector_load %arg9[%swap3A_626, %swap3A_627, %swap3A_628] {strides = array<i32>} : memref<2x128x64xf32, #tpu.memory_space<vmem>>, vector<1x1x16xf32>,
        %swap3A_630 = vector.shape_cast %swap3A_629 : vector<1x1x16xf32> to vector<16xf32>
        %swap3A_631 = vector.shape_cast %add3A_625 : vector<16xf32> to vector<1x1x16xf32>
        tpu.vector_store %arg9[%swap3A_626, %swap3A_627, %swap3A_628], %swap3A_631 {strides = array<i32>} : memref<2x128x64xf32, #tpu.memory_space<vmem>>, vector<1x1x16xf32>,
        %get3A_632 = arith.index_cast %rem3A_412 : i32 to index
        %get3A_633 = arith.index_cast %add3A_582 : i32 to index
        %get3A_634 = arith.constant 32 : index
        %get3A_635 = tpu.vector_load %arg7[%get3A_632, %get3A_633, %get3A_634] {strides = array<i32>} : memref<5x128x128xf32, #tpu.memory_space<vmem>>, vector<1x1x16xf32>,
        %get3A_636 = vector.shape_cast %get3A_635 : vector<1x1x16xf32> to vector<16xf32>
        %get3A_637 = arith.index_cast %rem3A_412 : i32 to index
        %get3A_638 = arith.index_cast %add3A_582 : i32 to index
        %get3A_639 = arith.constant 96 : index
        %get3A_640 = tpu.vector_load %arg7[%get3A_637, %get3A_638, %get3A_639] {strides = array<i32>} : memref<5x128x128xf32, #tpu.memory_space<vmem>>, vector<1x1x16xf32>,
        %get3A_641 = vector.shape_cast %get3A_640 : vector<1x1x16xf32> to vector<16xf32>
        %mul3A_642 = arith.constant 8.000000e+00 : f32
        %mul3A_643 = vector.broadcast %mul3A_642 : f32 to vector<16xf32>
        %mul3A_644 = arith.mulf %get3A_636, %mul3A_643 : vector<16xf32>
        %sub3A_645 = arith.subf %get3A_641, %get3A_636 : vector<16xf32>
        %mul3A_646 = arith.mulf %sub3A_645, %get3A_587 : vector<16xf32>
        %add3A_647 = arith.addf %mul3A_644, %mul3A_646 : vector<16xf32>
        %swap3A_648 = arith.index_cast %rem3A_414 : i32 to index
        %swap3A_649 = arith.index_cast %add3A_582 : i32 to index
        %swap3A_650 = arith.constant 32 : index
        %swap3A_651 = tpu.vector_load %arg9[%swap3A_648, %swap3A_649, %swap3A_650] {strides = array<i32>} : memref<2x128x64xf32, #tpu.memory_space<vmem>>, vector<1x1x16xf32>,
        %swap3A_652 = vector.shape_cast %swap3A_651 : vector<1x1x16xf32> to vector<16xf32>
        %swap3A_653 = vector.shape_cast %add3A_647 : vector<16xf32> to vector<1x1x16xf32>
        tpu.vector_store %arg9[%swap3A_648, %swap3A_649, %swap3A_650], %swap3A_653 {strides = array<i32>} : memref<2x128x64xf32, #tpu.memory_space<vmem>>, vector<1x1x16xf32>,
        %get3A_654 = arith.index_cast %rem3A_412 : i32 to index
        %get3A_655 = arith.index_cast %add3A_582 : i32 to index
        %get3A_656 = arith.constant 48 : index
        %get3A_657 = tpu.vector_load %arg7[%get3A_654, %get3A_655, %get3A_656] {strides = array<i32>} : memref<5x128x128xf32, #tpu.memory_space<vmem>>, vector<1x1x16xf32>,
        %get3A_658 = vector.shape_cast %get3A_657 : vector<1x1x16xf32> to vector<16xf32>
        %get3A_659 = arith.index_cast %rem3A_412 : i32 to index
        %get3A_660 = arith.index_cast %add3A_582 : i32 to index
        %get3A_661 = arith.constant 112 : index
        %get3A_662 = tpu.vector_load %arg7[%get3A_659, %get3A_660, %get3A_661] {strides = array<i32>} : memref<5x128x128xf32, #tpu.memory_space<vmem>>, vector<1x1x16xf32>,
        %get3A_663 = vector.shape_cast %get3A_662 : vector<1x1x16xf32> to vector<16xf32>
        %mul3A_664 = arith.constant 8.000000e+00 : f32
        %mul3A_665 = vector.broadcast %mul3A_664 : f32 to vector<16xf32>
        %mul3A_666 = arith.mulf %get3A_658, %mul3A_665 : vector<16xf32>
        %sub3A_667 = arith.subf %get3A_663, %get3A_658 : vector<16xf32>
        %mul3A_668 = arith.mulf %sub3A_667, %get3A_587 : vector<16xf32>
        %add3A_669 = arith.addf %mul3A_666, %mul3A_668 : vector<16xf32>
        %swap3A_670 = arith.index_cast %rem3A_414 : i32 to index
        %swap3A_671 = arith.index_cast %add3A_582 : i32 to index
        %swap3A_672 = arith.constant 48 : index
        %swap3A_673 = tpu.vector_load %arg9[%swap3A_670, %swap3A_671, %swap3A_672] {strides = array<i32>} : memref<2x128x64xf32, #tpu.memory_space<vmem>>, vector<1x1x16xf32>,
        %swap3A_674 = vector.shape_cast %swap3A_673 : vector<1x1x16xf32> to vector<16xf32>
        %swap3A_675 = vector.shape_cast %add3A_669 : vector<16xf32> to vector<1x1x16xf32>
        tpu.vector_store %arg9[%swap3A_670, %swap3A_671, %swap3A_672], %swap3A_675 {strides = array<i32>} : memref<2x128x64xf32, #tpu.memory_space<vmem>>, vector<1x1x16xf32>,
        %mul3A_676 = arith.constant 8 : i32
        %mul3A_677 = arith.muli %scan3A_484, %mul3A_676 : i32
        %add3A_678 = arith.constant 2 : i32
        %add3A_679 = arith.addi %mul3A_677, %add3A_678 : i32
        %get3A_680 = arith.index_cast %rem3A_412 : i32 to index
        %get3A_681 = arith.index_cast %scan3A_484 : i32 to index
        %get3A_682 = arith.constant 32 : index
        %get3A_683 = tpu.vector_load %arg8[%get3A_680, %get3A_681, %get3A_682] {strides = array<i32>} : memref<5x16x128xf32, #tpu.memory_space<vmem>>, vector<1x1x16xf32>,
        %get3A_684 = vector.shape_cast %get3A_683 : vector<1x1x16xf32> to vector<16xf32>
        %get3A_685 = arith.index_cast %rem3A_412 : i32 to index
        %get3A_686 = arith.index_cast %add3A_679 : i32 to index
        %get3A_687 = arith.constant 0 : index
        %get3A_688 = tpu.vector_load %arg7[%get3A_685, %get3A_686, %get3A_687] {strides = array<i32>} : memref<5x128x128xf32, #tpu.memory_space<vmem>>, vector<1x1x16xf32>,
        %get3A_689 = vector.shape_cast %get3A_688 : vector<1x1x16xf32> to vector<16xf32>
        %get3A_690 = arith.index_cast %rem3A_412 : i32 to index
        %get3A_691 = arith.index_cast %add3A_679 : i32 to index
        %get3A_692 = arith.constant 64 : index
        %get3A_693 = tpu.vector_load %arg7[%get3A_690, %get3A_691, %get3A_692] {strides = array<i32>} : memref<5x128x128xf32, #tpu.memory_space<vmem>>, vector<1x1x16xf32>,
        %get3A_694 = vector.shape_cast %get3A_693 : vector<1x1x16xf32> to vector<16xf32>
        %mul3A_695 = arith.constant 8.000000e+00 : f32
        %mul3A_696 = vector.broadcast %mul3A_695 : f32 to vector<16xf32>
        %mul3A_697 = arith.mulf %get3A_689, %mul3A_696 : vector<16xf32>
        %sub3A_698 = arith.subf %get3A_694, %get3A_689 : vector<16xf32>
        %mul3A_699 = arith.mulf %sub3A_698, %get3A_684 : vector<16xf32>
        %add3A_700 = arith.addf %mul3A_697, %mul3A_699 : vector<16xf32>
        %swap3A_701 = arith.index_cast %rem3A_414 : i32 to index
        %swap3A_702 = arith.index_cast %add3A_679 : i32 to index
        %swap3A_703 = arith.constant 0 : index
        %swap3A_704 = tpu.vector_load %arg9[%swap3A_701, %swap3A_702, %swap3A_703] {strides = array<i32>} : memref<2x128x64xf32, #tpu.memory_space<vmem>>, vector<1x1x16xf32>,
        %swap3A_705 = vector.shape_cast %swap3A_704 : vector<1x1x16xf32> to vector<16xf32>
        %swap3A_706 = vector.shape_cast %add3A_700 : vector<16xf32> to vector<1x1x16xf32>
        tpu.vector_store %arg9[%swap3A_701, %swap3A_702, %swap3A_703], %swap3A_706 {strides = array<i32>} : memref<2x128x64xf32, #tpu.memory_space<vmem>>, vector<1x1x16xf32>,
        %get3A_707 = arith.index_cast %rem3A_412 : i32 to index
        %get3A_708 = arith.index_cast %add3A_679 : i32 to index
        %get3A_709 = arith.constant 16 : index
        %get3A_710 = tpu.vector_load %arg7[%get3A_707, %get3A_708, %get3A_709] {strides = array<i32>} : memref<5x128x128xf32, #tpu.memory_space<vmem>>, vector<1x1x16xf32>,
        %get3A_711 = vector.shape_cast %get3A_710 : vector<1x1x16xf32> to vector<16xf32>
        %get3A_712 = arith.index_cast %rem3A_412 : i32 to index
        %get3A_713 = arith.index_cast %add3A_679 : i32 to index
        %get3A_714 = arith.constant 80 : index
        %get3A_715 = tpu.vector_load %arg7[%get3A_712, %get3A_713, %get3A_714] {strides = array<i32>} : memref<5x128x128xf32, #tpu.memory_space<vmem>>, vector<1x1x16xf32>,
        %get3A_716 = vector.shape_cast %get3A_715 : vector<1x1x16xf32> to vector<16xf32>
        %mul3A_717 = arith.constant 8.000000e+00 : f32
        %mul3A_718 = vector.broadcast %mul3A_717 : f32 to vector<16xf32>
        %mul3A_719 = arith.mulf %get3A_711, %mul3A_718 : vector<16xf32>
        %sub3A_720 = arith.subf %get3A_716, %get3A_711 : vector<16xf32>
        %mul3A_721 = arith.mulf %sub3A_720, %get3A_684 : vector<16xf32>
        %add3A_722 = arith.addf %mul3A_719, %mul3A_721 : vector<16xf32>
        %swap3A_723 = arith.index_cast %rem3A_414 : i32 to index
        %swap3A_724 = arith.index_cast %add3A_679 : i32 to index
        %swap3A_725 = arith.constant 16 : index
        %swap3A_726 = tpu.vector_load %arg9[%swap3A_723, %swap3A_724, %swap3A_725] {strides = array<i32>} : memref<2x128x64xf32, #tpu.memory_space<vmem>>, vector<1x1x16xf32>,
        %swap3A_727 = vector.shape_cast %swap3A_726 : vector<1x1x16xf32> to vector<16xf32>
        %swap3A_728 = vector.shape_cast %add3A_722 : vector<16xf32> to vector<1x1x16xf32>
        tpu.vector_store %arg9[%swap3A_723, %swap3A_724, %swap3A_725], %swap3A_728 {strides = array<i32>} : memref<2x128x64xf32, #tpu.memory_space<vmem>>, vector<1x1x16xf32>,
        %get3A_729 = arith.index_cast %rem3A_412 : i32 to index
        %get3A_730 = arith.index_cast %add3A_679 : i32 to index
        %get3A_731 = arith.constant 32 : index
        %get3A_732 = tpu.vector_load %arg7[%get3A_729, %get3A_730, %get3A_731] {strides = array<i32>} : memref<5x128x128xf32, #tpu.memory_space<vmem>>, vector<1x1x16xf32>,
        %get3A_733 = vector.shape_cast %get3A_732 : vector<1x1x16xf32> to vector<16xf32>
        %get3A_734 = arith.index_cast %rem3A_412 : i32 to index
        %get3A_735 = arith.index_cast %add3A_679 : i32 to index
        %get3A_736 = arith.constant 96 : index
        %get3A_737 = tpu.vector_load %arg7[%get3A_734, %get3A_735, %get3A_736] {strides = array<i32>} : memref<5x128x128xf32, #tpu.memory_space<vmem>>, vector<1x1x16xf32>,
        %get3A_738 = vector.shape_cast %get3A_737 : vector<1x1x16xf32> to vector<16xf32>
        %mul3A_739 = arith.constant 8.000000e+00 : f32
        %mul3A_740 = vector.broadcast %mul3A_739 : f32 to vector<16xf32>
        %mul3A_741 = arith.mulf %get3A_733, %mul3A_740 : vector<16xf32>
        %sub3A_742 = arith.subf %get3A_738, %get3A_733 : vector<16xf32>
        %mul3A_743 = arith.mulf %sub3A_742, %get3A_684 : vector<16xf32>
        %add3A_744 = arith.addf %mul3A_741, %mul3A_743 : vector<16xf32>
        %swap3A_745 = arith.index_cast %rem3A_414 : i32 to index
        %swap3A_746 = arith.index_cast %add3A_679 : i32 to index
        %swap3A_747 = arith.constant 32 : index
        %swap3A_748 = tpu.vector_load %arg9[%swap3A_745, %swap3A_746, %swap3A_747] {strides = array<i32>} : memref<2x128x64xf32, #tpu.memory_space<vmem>>, vector<1x1x16xf32>,
        %swap3A_749 = vector.shape_cast %swap3A_748 : vector<1x1x16xf32> to vector<16xf32>
        %swap3A_750 = vector.shape_cast %add3A_744 : vector<16xf32> to vector<1x1x16xf32>
        tpu.vector_store %arg9[%swap3A_745, %swap3A_746, %swap3A_747], %swap3A_750 {strides = array<i32>} : memref<2x128x64xf32, #tpu.memory_space<vmem>>, vector<1x1x16xf32>,
        %get3A_751 = arith.index_cast %rem3A_412 : i32 to index
        %get3A_752 = arith.index_cast %add3A_679 : i32 to index
        %get3A_753 = arith.constant 48 : index
        %get3A_754 = tpu.vector_load %arg7[%get3A_751, %get3A_752, %get3A_753] {strides = array<i32>} : memref<5x128x128xf32, #tpu.memory_space<vmem>>, vector<1x1x16xf32>,
        %get3A_755 = vector.shape_cast %get3A_754 : vector<1x1x16xf32> to vector<16xf32>
        %get3A_756 = arith.index_cast %rem3A_412 : i32 to index
        %get3A_757 = arith.index_cast %add3A_679 : i32 to index
        %get3A_758 = arith.constant 112 : index
        %get3A_759 = tpu.vector_load %arg7[%get3A_756, %get3A_757, %get3A_758] {strides = array<i32>} : memref<5x128x128xf32, #tpu.memory_space<vmem>>, vector<1x1x16xf32>,
        %get3A_760 = vector.shape_cast %get3A_759 : vector<1x1x16xf32> to vector<16xf32>
        %mul3A_761 = arith.constant 8.000000e+00 : f32
        %mul3A_762 = vector.broadcast %mul3A_761 : f32 to vector<16xf32>
        %mul3A_763 = arith.mulf %get3A_755, %mul3A_762 : vector<16xf32>
        %sub3A_764 = arith.subf %get3A_760, %get3A_755 : vector<16xf32>
        %mul3A_765 = arith.mulf %sub3A_764, %get3A_684 : vector<16xf32>
        %add3A_766 = arith.addf %mul3A_763, %mul3A_765 : vector<16xf32>
        %swap3A_767 = arith.index_cast %rem3A_414 : i32 to index
        %swap3A_768 = arith.index_cast %add3A_679 : i32 to index
        %swap3A_769 = arith.constant 48 : index
        %swap3A_770 = tpu.vector_load %arg9[%swap3A_767, %swap3A_768, %swap3A_769] {strides = array<i32>} : memref<2x128x64xf32, #tpu.memory_space<vmem>>, vector<1x1x16xf32>,
        %swap3A_771 = vector.shape_cast %swap3A_770 : vector<1x1x16xf32> to vector<16xf32>
        %swap3A_772 = vector.shape_cast %add3A_766 : vector<16xf32> to vector<1x1x16xf32>
        tpu.vector_store %arg9[%swap3A_767, %swap3A_768, %swap3A_769], %swap3A_772 {strides = array<i32>} : memref<2x128x64xf32, #tpu.memory_space<vmem>>, vector<1x1x16xf32>,
        %mul3A_773 = arith.constant 8 : i32
        %mul3A_774 = arith.muli %scan3A_484, %mul3A_773 : i32
        %add3A_775 = arith.constant 3 : i32
        %add3A_776 = arith.addi %mul3A_774, %add3A_775 : i32
        %get3A_777 = arith.index_cast %rem3A_412 : i32 to index
        %get3A_778 = arith.index_cast %scan3A_484 : i32 to index
        %get3A_779 = arith.constant 48 : index
        %get3A_780 = tpu.vector_load %arg8[%get3A_777, %get3A_778, %get3A_779] {strides = array<i32>} : memref<5x16x128xf32, #tpu.memory_space<vmem>>, vector<1x1x16xf32>,
        %get3A_781 = vector.shape_cast %get3A_780 : vector<1x1x16xf32> to vector<16xf32>
        %get3A_782 = arith.index_cast %rem3A_412 : i32 to index
        %get3A_783 = arith.index_cast %add3A_776 : i32 to index
        %get3A_784 = arith.constant 0 : index
        %get3A_785 = tpu.vector_load %arg7[%get3A_782, %get3A_783, %get3A_784] {strides = array<i32>} : memref<5x128x128xf32, #tpu.memory_space<vmem>>, vector<1x1x16xf32>,
        %get3A_786 = vector.shape_cast %get3A_785 : vector<1x1x16xf32> to vector<16xf32>
        %get3A_787 = arith.index_cast %rem3A_412 : i32 to index
        %get3A_788 = arith.index_cast %add3A_776 : i32 to index
        %get3A_789 = arith.constant 64 : index
        %get3A_790 = tpu.vector_load %arg7[%get3A_787, %get3A_788, %get3A_789] {strides = array<i32>} : memref<5x128x128xf32, #tpu.memory_space<vmem>>, vector<1x1x16xf32>,
        %get3A_791 = vector.shape_cast %get3A_790 : vector<1x1x16xf32> to vector<16xf32>
        %mul3A_792 = arith.constant 8.000000e+00 : f32
        %mul3A_793 = vector.broadcast %mul3A_792 : f32 to vector<16xf32>
        %mul3A_794 = arith.mulf %get3A_786, %mul3A_793 : vector<16xf32>
        %sub3A_795 = arith.subf %get3A_791, %get3A_786 : vector<16xf32>
        %mul3A_796 = arith.mulf %sub3A_795, %get3A_781 : vector<16xf32>
        %add3A_797 = arith.addf %mul3A_794, %mul3A_796 : vector<16xf32>
        %swap3A_798 = arith.index_cast %rem3A_414 : i32 to index
        %swap3A_799 = arith.index_cast %add3A_776 : i32 to index
        %swap3A_800 = arith.constant 0 : index
        %swap3A_801 = tpu.vector_load %arg9[%swap3A_798, %swap3A_799, %swap3A_800] {strides = array<i32>} : memref<2x128x64xf32, #tpu.memory_space<vmem>>, vector<1x1x16xf32>,
        %swap3A_802 = vector.shape_cast %swap3A_801 : vector<1x1x16xf32> to vector<16xf32>
        %swap3A_803 = vector.shape_cast %add3A_797 : vector<16xf32> to vector<1x1x16xf32>
        tpu.vector_store %arg9[%swap3A_798, %swap3A_799, %swap3A_800], %swap3A_803 {strides = array<i32>} : memref<2x128x64xf32, #tpu.memory_space<vmem>>, vector<1x1x16xf32>,
        %get3A_804 = arith.index_cast %rem3A_412 : i32 to index
        %get3A_805 = arith.index_cast %add3A_776 : i32 to index
        %get3A_806 = arith.constant 16 : index
        %get3A_807 = tpu.vector_load %arg7[%get3A_804, %get3A_805, %get3A_806] {strides = array<i32>} : memref<5x128x128xf32, #tpu.memory_space<vmem>>, vector<1x1x16xf32>,
        %get3A_808 = vector.shape_cast %get3A_807 : vector<1x1x16xf32> to vector<16xf32>
        %get3A_809 = arith.index_cast %rem3A_412 : i32 to index
        %get3A_810 = arith.index_cast %add3A_776 : i32 to index
        %get3A_811 = arith.constant 80 : index
        %get3A_812 = tpu.vector_load %arg7[%get3A_809, %get3A_810, %get3A_811] {strides = array<i32>} : memref<5x128x128xf32, #tpu.memory_space<vmem>>, vector<1x1x16xf32>,
        %get3A_813 = vector.shape_cast %get3A_812 : vector<1x1x16xf32> to vector<16xf32>
        %mul3A_814 = arith.constant 8.000000e+00 : f32
        %mul3A_815 = vector.broadcast %mul3A_814 : f32 to vector<16xf32>
        %mul3A_816 = arith.mulf %get3A_808, %mul3A_815 : vector<16xf32>
        %sub3A_817 = arith.subf %get3A_813, %get3A_808 : vector<16xf32>
        %mul3A_818 = arith.mulf %sub3A_817, %get3A_781 : vector<16xf32>
        %add3A_819 = arith.addf %mul3A_816, %mul3A_818 : vector<16xf32>
        %swap3A_820 = arith.index_cast %rem3A_414 : i32 to index
        %swap3A_821 = arith.index_cast %add3A_776 : i32 to index
        %swap3A_822 = arith.constant 16 : index
        %swap3A_823 = tpu.vector_load %arg9[%swap3A_820, %swap3A_821, %swap3A_822] {strides = array<i32>} : memref<2x128x64xf32, #tpu.memory_space<vmem>>, vector<1x1x16xf32>,
        %swap3A_824 = vector.shape_cast %swap3A_823 : vector<1x1x16xf32> to vector<16xf32>
        %swap3A_825 = vector.shape_cast %add3A_819 : vector<16xf32> to vector<1x1x16xf32>
        tpu.vector_store %arg9[%swap3A_820, %swap3A_821, %swap3A_822], %swap3A_825 {strides = array<i32>} : memref<2x128x64xf32, #tpu.memory_space<vmem>>, vector<1x1x16xf32>,
        %get3A_826 = arith.index_cast %rem3A_412 : i32 to index
        %get3A_827 = arith.index_cast %add3A_776 : i32 to index
        %get3A_828 = arith.constant 32 : index
        %get3A_829 = tpu.vector_load %arg7[%get3A_826, %get3A_827, %get3A_828] {strides = array<i32>} : memref<5x128x128xf32, #tpu.memory_space<vmem>>, vector<1x1x16xf32>,
        %get3A_830 = vector.shape_cast %get3A_829 : vector<1x1x16xf32> to vector<16xf32>
        %get3A_831 = arith.index_cast %rem3A_412 : i32 to index
        %get3A_832 = arith.index_cast %add3A_776 : i32 to index
        %get3A_833 = arith.constant 96 : index
        %get3A_834 = tpu.vector_load %arg7[%get3A_831, %get3A_832, %get3A_833] {strides = array<i32>} : memref<5x128x128xf32, #tpu.memory_space<vmem>>, vector<1x1x16xf32>,
        %get3A_835 = vector.shape_cast %get3A_834 : vector<1x1x16xf32> to vector<16xf32>
        %mul3A_836 = arith.constant 8.000000e+00 : f32
        %mul3A_837 = vector.broadcast %mul3A_836 : f32 to vector<16xf32>
        %mul3A_838 = arith.mulf %get3A_830, %mul3A_837 : vector<16xf32>
        %sub3A_839 = arith.subf %get3A_835, %get3A_830 : vector<16xf32>
        %mul3A_840 = arith.mulf %sub3A_839, %get3A_781 : vector<16xf32>
        %add3A_841 = arith.addf %mul3A_838, %mul3A_840 : vector<16xf32>
        %swap3A_842 = arith.index_cast %rem3A_414 : i32 to index
        %swap3A_843 = arith.index_cast %add3A_776 : i32 to index
        %swap3A_844 = arith.constant 32 : index
        %swap3A_845 = tpu.vector_load %arg9[%swap3A_842, %swap3A_843, %swap3A_844] {strides = array<i32>} : memref<2x128x64xf32, #tpu.memory_space<vmem>>, vector<1x1x16xf32>,
        %swap3A_846 = vector.shape_cast %swap3A_845 : vector<1x1x16xf32> to vector<16xf32>
        %swap3A_847 = vector.shape_cast %add3A_841 : vector<16xf32> to vector<1x1x16xf32>
        tpu.vector_store %arg9[%swap3A_842, %swap3A_843, %swap3A_844], %swap3A_847 {strides = array<i32>} : memref<2x128x64xf32, #tpu.memory_space<vmem>>, vector<1x1x16xf32>,
        %get3A_848 = arith.index_cast %rem3A_412 : i32 to index
        %get3A_849 = arith.index_cast %add3A_776 : i32 to index
        %get3A_850 = arith.constant 48 : index
        %get3A_851 = tpu.vector_load %arg7[%get3A_848, %get3A_849, %get3A_850] {strides = array<i32>} : memref<5x128x128xf32, #tpu.memory_space<vmem>>, vector<1x1x16xf32>,
        %get3A_852 = vector.shape_cast %get3A_851 : vector<1x1x16xf32> to vector<16xf32>
        %get3A_853 = arith.index_cast %rem3A_412 : i32 to index
        %get3A_854 = arith.index_cast %add3A_776 : i32 to index
        %get3A_855 = arith.constant 112 : index
        %get3A_856 = tpu.vector_load %arg7[%get3A_853, %get3A_854, %get3A_855] {strides = array<i32>} : memref<5x128x128xf32, #tpu.memory_space<vmem>>, vector<1x1x16xf32>,
        %get3A_857 = vector.shape_cast %get3A_856 : vector<1x1x16xf32> to vector<16xf32>
        %mul3A_858 = arith.constant 8.000000e+00 : f32
        %mul3A_859 = vector.broadcast %mul3A_858 : f32 to vector<16xf32>
        %mul3A_860 = arith.mulf %get3A_852, %mul3A_859 : vector<16xf32>
        %sub3A_861 = arith.subf %get3A_857, %get3A_852 : vector<16xf32>
        %mul3A_862 = arith.mulf %sub3A_861, %get3A_781 : vector<16xf32>
        %add3A_863 = arith.addf %mul3A_860, %mul3A_862 : vector<16xf32>
        %swap3A_864 = arith.index_cast %rem3A_414 : i32 to index
        %swap3A_865 = arith.index_cast %add3A_776 : i32 to index
        %swap3A_866 = arith.constant 48 : index
        %swap3A_867 = tpu.vector_load %arg9[%swap3A_864, %swap3A_865, %swap3A_866] {strides = array<i32>} : memref<2x128x64xf32, #tpu.memory_space<vmem>>, vector<1x1x16xf32>,
        %swap3A_868 = vector.shape_cast %swap3A_867 : vector<1x1x16xf32> to vector<16xf32>
        %swap3A_869 = vector.shape_cast %add3A_863 : vector<16xf32> to vector<1x1x16xf32>
        tpu.vector_store %arg9[%swap3A_864, %swap3A_865, %swap3A_866], %swap3A_869 {strides = array<i32>} : memref<2x128x64xf32, #tpu.memory_space<vmem>>, vector<1x1x16xf32>,
        %mul3A_870 = arith.constant 8 : i32
        %mul3A_871 = arith.muli %scan3A_484, %mul3A_870 : i32
        %add3A_872 = arith.constant 4 : i32
        %add3A_873 = arith.addi %mul3A_871, %add3A_872 : i32
        %get3A_874 = arith.index_cast %rem3A_412 : i32 to index
        %get3A_875 = arith.index_cast %scan3A_484 : i32 to index
        %get3A_876 = arith.constant 64 : index
        %get3A_877 = tpu.vector_load %arg8[%get3A_874, %get3A_875, %get3A_876] {strides = array<i32>} : memref<5x16x128xf32, #tpu.memory_space<vmem>>, vector<1x1x16xf32>,
        %get3A_878 = vector.shape_cast %get3A_877 : vector<1x1x16xf32> to vector<16xf32>
        %get3A_879 = arith.index_cast %rem3A_412 : i32 to index
        %get3A_880 = arith.index_cast %add3A_873 : i32 to index
        %get3A_881 = arith.constant 0 : index
        %get3A_882 = tpu.vector_load %arg7[%get3A_879, %get3A_880, %get3A_881] {strides = array<i32>} : memref<5x128x128xf32, #tpu.memory_space<vmem>>, vector<1x1x16xf32>,
        %get3A_883 = vector.shape_cast %get3A_882 : vector<1x1x16xf32> to vector<16xf32>
        %get3A_884 = arith.index_cast %rem3A_412 : i32 to index
        %get3A_885 = arith.index_cast %add3A_873 : i32 to index
        %get3A_886 = arith.constant 64 : index
        %get3A_887 = tpu.vector_load %arg7[%get3A_884, %get3A_885, %get3A_886] {strides = array<i32>} : memref<5x128x128xf32, #tpu.memory_space<vmem>>, vector<1x1x16xf32>,
        %get3A_888 = vector.shape_cast %get3A_887 : vector<1x1x16xf32> to vector<16xf32>
        %mul3A_889 = arith.constant 8.000000e+00 : f32
        %mul3A_890 = vector.broadcast %mul3A_889 : f32 to vector<16xf32>
        %mul3A_891 = arith.mulf %get3A_883, %mul3A_890 : vector<16xf32>
        %sub3A_892 = arith.subf %get3A_888, %get3A_883 : vector<16xf32>
        %mul3A_893 = arith.mulf %sub3A_892, %get3A_878 : vector<16xf32>
        %add3A_894 = arith.addf %mul3A_891, %mul3A_893 : vector<16xf32>
        %swap3A_895 = arith.index_cast %rem3A_414 : i32 to index
        %swap3A_896 = arith.index_cast %add3A_873 : i32 to index
        %swap3A_897 = arith.constant 0 : index
        %swap3A_898 = tpu.vector_load %arg9[%swap3A_895, %swap3A_896, %swap3A_897] {strides = array<i32>} : memref<2x128x64xf32, #tpu.memory_space<vmem>>, vector<1x1x16xf32>,
        %swap3A_899 = vector.shape_cast %swap3A_898 : vector<1x1x16xf32> to vector<16xf32>
        %swap3A_900 = vector.shape_cast %add3A_894 : vector<16xf32> to vector<1x1x16xf32>
        tpu.vector_store %arg9[%swap3A_895, %swap3A_896, %swap3A_897], %swap3A_900 {strides = array<i32>} : memref<2x128x64xf32, #tpu.memory_space<vmem>>, vector<1x1x16xf32>,
        %get3A_901 = arith.index_cast %rem3A_412 : i32 to index
        %get3A_902 = arith.index_cast %add3A_873 : i32 to index
        %get3A_903 = arith.constant 16 : index
        %get3A_904 = tpu.vector_load %arg7[%get3A_901, %get3A_902, %get3A_903] {strides = array<i32>} : memref<5x128x128xf32, #tpu.memory_space<vmem>>, vector<1x1x16xf32>,
        %get3A_905 = vector.shape_cast %get3A_904 : vector<1x1x16xf32> to vector<16xf32>
        %get3A_906 = arith.index_cast %rem3A_412 : i32 to index
        %get3A_907 = arith.index_cast %add3A_873 : i32 to index
        %get3A_908 = arith.constant 80 : index
        %get3A_909 = tpu.vector_load %arg7[%get3A_906, %get3A_907, %get3A_908] {strides = array<i32>} : memref<5x128x128xf32, #tpu.memory_space<vmem>>, vector<1x1x16xf32>,
        %get3A_910 = vector.shape_cast %get3A_909 : vector<1x1x16xf32> to vector<16xf32>
        %mul3A_911 = arith.constant 8.000000e+00 : f32
        %mul3A_912 = vector.broadcast %mul3A_911 : f32 to vector<16xf32>
        %mul3A_913 = arith.mulf %get3A_905, %mul3A_912 : vector<16xf32>
        %sub3A_914 = arith.subf %get3A_910, %get3A_905 : vector<16xf32>
        %mul3A_915 = arith.mulf %sub3A_914, %get3A_878 : vector<16xf32>
        %add3A_916 = arith.addf %mul3A_913, %mul3A_915 : vector<16xf32>
        %swap3A_917 = arith.index_cast %rem3A_414 : i32 to index
        %swap3A_918 = arith.index_cast %add3A_873 : i32 to index
        %swap3A_919 = arith.constant 16 : index
        %swap3A_920 = tpu.vector_load %arg9[%swap3A_917, %swap3A_918, %swap3A_919] {strides = array<i32>} : memref<2x128x64xf32, #tpu.memory_space<vmem>>, vector<1x1x16xf32>,
        %swap3A_921 = vector.shape_cast %swap3A_920 : vector<1x1x16xf32> to vector<16xf32>
        %swap3A_922 = vector.shape_cast %add3A_916 : vector<16xf32> to vector<1x1x16xf32>
        tpu.vector_store %arg9[%swap3A_917, %swap3A_918, %swap3A_919], %swap3A_922 {strides = array<i32>} : memref<2x128x64xf32, #tpu.memory_space<vmem>>, vector<1x1x16xf32>,
        %get3A_923 = arith.index_cast %rem3A_412 : i32 to index
        %get3A_924 = arith.index_cast %add3A_873 : i32 to index
        %get3A_925 = arith.constant 32 : index
        %get3A_926 = tpu.vector_load %arg7[%get3A_923, %get3A_924, %get3A_925] {strides = array<i32>} : memref<5x128x128xf32, #tpu.memory_space<vmem>>, vector<1x1x16xf32>,
        %get3A_927 = vector.shape_cast %get3A_926 : vector<1x1x16xf32> to vector<16xf32>
        %get3A_928 = arith.index_cast %rem3A_412 : i32 to index
        %get3A_929 = arith.index_cast %add3A_873 : i32 to index
        %get3A_930 = arith.constant 96 : index
        %get3A_931 = tpu.vector_load %arg7[%get3A_928, %get3A_929, %get3A_930] {strides = array<i32>} : memref<5x128x128xf32, #tpu.memory_space<vmem>>, vector<1x1x16xf32>,
        %get3A_932 = vector.shape_cast %get3A_931 : vector<1x1x16xf32> to vector<16xf32>
        %mul3A_933 = arith.constant 8.000000e+00 : f32
        %mul3A_934 = vector.broadcast %mul3A_933 : f32 to vector<16xf32>
        %mul3A_935 = arith.mulf %get3A_927, %mul3A_934 : vector<16xf32>
        %sub3A_936 = arith.subf %get3A_932, %get3A_927 : vector<16xf32>
        %mul3A_937 = arith.mulf %sub3A_936, %get3A_878 : vector<16xf32>
        %add3A_938 = arith.addf %mul3A_935, %mul3A_937 : vector<16xf32>
        %swap3A_939 = arith.index_cast %rem3A_414 : i32 to index
        %swap3A_940 = arith.index_cast %add3A_873 : i32 to index
        %swap3A_941 = arith.constant 32 : index
        %swap3A_942 = tpu.vector_load %arg9[%swap3A_939, %swap3A_940, %swap3A_941] {strides = array<i32>} : memref<2x128x64xf32, #tpu.memory_space<vmem>>, vector<1x1x16xf32>,
        %swap3A_943 = vector.shape_cast %swap3A_942 : vector<1x1x16xf32> to vector<16xf32>
        %swap3A_944 = vector.shape_cast %add3A_938 : vector<16xf32> to vector<1x1x16xf32>
        tpu.vector_store %arg9[%swap3A_939, %swap3A_940, %swap3A_941], %swap3A_944 {strides = array<i32>} : memref<2x128x64xf32, #tpu.memory_space<vmem>>, vector<1x1x16xf32>,
        %get3A_945 = arith.index_cast %rem3A_412 : i32 to index
        %get3A_946 = arith.index_cast %add3A_873 : i32 to index
        %get3A_947 = arith.constant 48 : index
        %get3A_948 = tpu.vector_load %arg7[%get3A_945, %get3A_946, %get3A_947] {strides = array<i32>} : memref<5x128x128xf32, #tpu.memory_space<vmem>>, vector<1x1x16xf32>,
        %get3A_949 = vector.shape_cast %get3A_948 : vector<1x1x16xf32> to vector<16xf32>
        %get3A_950 = arith.index_cast %rem3A_412 : i32 to index
        %get3A_951 = arith.index_cast %add3A_873 : i32 to index
        %get3A_952 = arith.constant 112 : index
        %get3A_953 = tpu.vector_load %arg7[%get3A_950, %get3A_951, %get3A_952] {strides = array<i32>} : memref<5x128x128xf32, #tpu.memory_space<vmem>>, vector<1x1x16xf32>,
        %get3A_954 = vector.shape_cast %get3A_953 : vector<1x1x16xf32> to vector<16xf32>
        %mul3A_955 = arith.constant 8.000000e+00 : f32
        %mul3A_956 = vector.broadcast %mul3A_955 : f32 to vector<16xf32>
        %mul3A_957 = arith.mulf %get3A_949, %mul3A_956 : vector<16xf32>
        %sub3A_958 = arith.subf %get3A_954, %get3A_949 : vector<16xf32>
        %mul3A_959 = arith.mulf %sub3A_958, %get3A_878 : vector<16xf32>
        %add3A_960 = arith.addf %mul3A_957, %mul3A_959 : vector<16xf32>
        %swap3A_961 = arith.index_cast %rem3A_414 : i32 to index
        %swap3A_962 = arith.index_cast %add3A_873 : i32 to index
        %swap3A_963 = arith.constant 48 : index
        %swap3A_964 = tpu.vector_load %arg9[%swap3A_961, %swap3A_962, %swap3A_963] {strides = array<i32>} : memref<2x128x64xf32, #tpu.memory_space<vmem>>, vector<1x1x16xf32>,
        %swap3A_965 = vector.shape_cast %swap3A_964 : vector<1x1x16xf32> to vector<16xf32>
        %swap3A_966 = vector.shape_cast %add3A_960 : vector<16xf32> to vector<1x1x16xf32>
        tpu.vector_store %arg9[%swap3A_961, %swap3A_962, %swap3A_963], %swap3A_966 {strides = array<i32>} : memref<2x128x64xf32, #tpu.memory_space<vmem>>, vector<1x1x16xf32>,
        %mul3A_967 = arith.constant 8 : i32
        %mul3A_968 = arith.muli %scan3A_484, %mul3A_967 : i32
        %add3A_969 = arith.constant 5 : i32
        %add3A_970 = arith.addi %mul3A_968, %add3A_969 : i32
        %get3A_971 = arith.index_cast %rem3A_412 : i32 to index
        %get3A_972 = arith.index_cast %scan3A_484 : i32 to index
        %get3A_973 = arith.constant 80 : index
        %get3A_974 = tpu.vector_load %arg8[%get3A_971, %get3A_972, %get3A_973] {strides = array<i32>} : memref<5x16x128xf32, #tpu.memory_space<vmem>>, vector<1x1x16xf32>,
        %get3A_975 = vector.shape_cast %get3A_974 : vector<1x1x16xf32> to vector<16xf32>
        %get3A_976 = arith.index_cast %rem3A_412 : i32 to index
        %get3A_977 = arith.index_cast %add3A_970 : i32 to index
        %get3A_978 = arith.constant 0 : index
        %get3A_979 = tpu.vector_load %arg7[%get3A_976, %get3A_977, %get3A_978] {strides = array<i32>} : memref<5x128x128xf32, #tpu.memory_space<vmem>>, vector<1x1x16xf32>,
        %get3A_980 = vector.shape_cast %get3A_979 : vector<1x1x16xf32> to vector<16xf32>
        %get3A_981 = arith.index_cast %rem3A_412 : i32 to index
        %get3A_982 = arith.index_cast %add3A_970 : i32 to index
        %get3A_983 = arith.constant 64 : index
        %get3A_984 = tpu.vector_load %arg7[%get3A_981, %get3A_982, %get3A_983] {strides = array<i32>} : memref<5x128x128xf32, #tpu.memory_space<vmem>>, vector<1x1x16xf32>,
        %get3A_985 = vector.shape_cast %get3A_984 : vector<1x1x16xf32> to vector<16xf32>
        %mul3A_986 = arith.constant 8.000000e+00 : f32
        %mul3A_987 = vector.broadcast %mul3A_986 : f32 to vector<16xf32>
        %mul3A_988 = arith.mulf %get3A_980, %mul3A_987 : vector<16xf32>
        %sub3A_989 = arith.subf %get3A_985, %get3A_980 : vector<16xf32>
        %mul3A_990 = arith.mulf %sub3A_989, %get3A_975 : vector<16xf32>
        %add3A_991 = arith.addf %mul3A_988, %mul3A_990 : vector<16xf32>
        %swap3A_992 = arith.index_cast %rem3A_414 : i32 to index
        %swap3A_993 = arith.index_cast %add3A_970 : i32 to index
        %swap3A_994 = arith.constant 0 : index
        %swap3A_995 = tpu.vector_load %arg9[%swap3A_992, %swap3A_993, %swap3A_994] {strides = array<i32>} : memref<2x128x64xf32, #tpu.memory_space<vmem>>, vector<1x1x16xf32>,
        %swap3A_996 = vector.shape_cast %swap3A_995 : vector<1x1x16xf32> to vector<16xf32>
        %swap3A_997 = vector.shape_cast %add3A_991 : vector<16xf32> to vector<1x1x16xf32>
        tpu.vector_store %arg9[%swap3A_992, %swap3A_993, %swap3A_994], %swap3A_997 {strides = array<i32>} : memref<2x128x64xf32, #tpu.memory_space<vmem>>, vector<1x1x16xf32>,
        %get3A_998 = arith.index_cast %rem3A_412 : i32 to index
        %get3A_999 = arith.index_cast %add3A_970 : i32 to index
        %get3A_1000 = arith.constant 16 : index
        %get3A_1001 = tpu.vector_load %arg7[%get3A_998, %get3A_999, %get3A_1000] {strides = array<i32>} : memref<5x128x128xf32, #tpu.memory_space<vmem>>, vector<1x1x16xf32>,
        %get3A_1002 = vector.shape_cast %get3A_1001 : vector<1x1x16xf32> to vector<16xf32>
        %get3A_1003 = arith.index_cast %rem3A_412 : i32 to index
        %get3A_1004 = arith.index_cast %add3A_970 : i32 to index
        %get3A_1005 = arith.constant 80 : index
        %get3A_1006 = tpu.vector_load %arg7[%get3A_1003, %get3A_1004, %get3A_1005] {strides = array<i32>} : memref<5x128x128xf32, #tpu.memory_space<vmem>>, vector<1x1x16xf32>,
        %get3A_1007 = vector.shape_cast %get3A_1006 : vector<1x1x16xf32> to vector<16xf32>
        %mul3A_1008 = arith.constant 8.000000e+00 : f32
        %mul3A_1009 = vector.broadcast %mul3A_1008 : f32 to vector<16xf32>
        %mul3A_1010 = arith.mulf %get3A_1002, %mul3A_1009 : vector<16xf32>
        %sub3A_1011 = arith.subf %get3A_1007, %get3A_1002 : vector<16xf32>
        %mul3A_1012 = arith.mulf %sub3A_1011, %get3A_975 : vector<16xf32>
        %add3A_1013 = arith.addf %mul3A_1010, %mul3A_1012 : vector<16xf32>
        %swap3A_1014 = arith.index_cast %rem3A_414 : i32 to index
        %swap3A_1015 = arith.index_cast %add3A_970 : i32 to index
        %swap3A_1016 = arith.constant 16 : index
        %swap3A_1017 = tpu.vector_load %arg9[%swap3A_1014, %swap3A_1015, %swap3A_1016] {strides = array<i32>} : memref<2x128x64xf32, #tpu.memory_space<vmem>>, vector<1x1x16xf32>,
        %swap3A_1018 = vector.shape_cast %swap3A_1017 : vector<1x1x16xf32> to vector<16xf32>
        %swap3A_1019 = vector.shape_cast %add3A_1013 : vector<16xf32> to vector<1x1x16xf32>
        tpu.vector_store %arg9[%swap3A_1014, %swap3A_1015, %swap3A_1016], %swap3A_1019 {strides = array<i32>} : memref<2x128x64xf32, #tpu.memory_space<vmem>>, vector<1x1x16xf32>,
        %get3A_1020 = arith.index_cast %rem3A_412 : i32 to index
        %get3A_1021 = arith.index_cast %add3A_970 : i32 to index
        %get3A_1022 = arith.constant 32 : index
        %get3A_1023 = tpu.vector_load %arg7[%get3A_1020, %get3A_1021, %get3A_1022] {strides = array<i32>} : memref<5x128x128xf32, #tpu.memory_space<vmem>>, vector<1x1x16xf32>,
        %get3A_1024 = vector.shape_cast %get3A_1023 : vector<1x1x16xf32> to vector<16xf32>
        %get3A_1025 = arith.index_cast %rem3A_412 : i32 to index
        %get3A_1026 = arith.index_cast %add3A_970 : i32 to index
        %get3A_1027 = arith.constant 96 : index
        %get3A_1028 = tpu.vector_load %arg7[%get3A_1025, %get3A_1026, %get3A_1027] {strides = array<i32>} : memref<5x128x128xf32, #tpu.memory_space<vmem>>, vector<1x1x16xf32>,
        %get3A_1029 = vector.shape_cast %get3A_1028 : vector<1x1x16xf32> to vector<16xf32>
        %mul3A_1030 = arith.constant 8.000000e+00 : f32
        %mul3A_1031 = vector.broadcast %mul3A_1030 : f32 to vector<16xf32>
        %mul3A_1032 = arith.mulf %get3A_1024, %mul3A_1031 : vector<16xf32>
        %sub3A_1033 = arith.subf %get3A_1029, %get3A_1024 : vector<16xf32>
        %mul3A_1034 = arith.mulf %sub3A_1033, %get3A_975 : vector<16xf32>
        %add3A_1035 = arith.addf %mul3A_1032, %mul3A_1034 : vector<16xf32>
        %swap3A_1036 = arith.index_cast %rem3A_414 : i32 to index
        %swap3A_1037 = arith.index_cast %add3A_970 : i32 to index
        %swap3A_1038 = arith.constant 32 : index
        %swap3A_1039 = tpu.vector_load %arg9[%swap3A_1036, %swap3A_1037, %swap3A_1038] {strides = array<i32>} : memref<2x128x64xf32, #tpu.memory_space<vmem>>, vector<1x1x16xf32>,
        %swap3A_1040 = vector.shape_cast %swap3A_1039 : vector<1x1x16xf32> to vector<16xf32>
        %swap3A_1041 = vector.shape_cast %add3A_1035 : vector<16xf32> to vector<1x1x16xf32>
        tpu.vector_store %arg9[%swap3A_1036, %swap3A_1037, %swap3A_1038], %swap3A_1041 {strides = array<i32>} : memref<2x128x64xf32, #tpu.memory_space<vmem>>, vector<1x1x16xf32>,
        %get3A_1042 = arith.index_cast %rem3A_412 : i32 to index
        %get3A_1043 = arith.index_cast %add3A_970 : i32 to index
        %get3A_1044 = arith.constant 48 : index
        %get3A_1045 = tpu.vector_load %arg7[%get3A_1042, %get3A_1043, %get3A_1044] {strides = array<i32>} : memref<5x128x128xf32, #tpu.memory_space<vmem>>, vector<1x1x16xf32>,
        %get3A_1046 = vector.shape_cast %get3A_1045 : vector<1x1x16xf32> to vector<16xf32>
        %get3A_1047 = arith.index_cast %rem3A_412 : i32 to index
        %get3A_1048 = arith.index_cast %add3A_970 : i32 to index
        %get3A_1049 = arith.constant 112 : index
        %get3A_1050 = tpu.vector_load %arg7[%get3A_1047, %get3A_1048, %get3A_1049] {strides = array<i32>} : memref<5x128x128xf32, #tpu.memory_space<vmem>>, vector<1x1x16xf32>,
        %get3A_1051 = vector.shape_cast %get3A_1050 : vector<1x1x16xf32> to vector<16xf32>
        %mul3A_1052 = arith.constant 8.000000e+00 : f32
        %mul3A_1053 = vector.broadcast %mul3A_1052 : f32 to vector<16xf32>
        %mul3A_1054 = arith.mulf %get3A_1046, %mul3A_1053 : vector<16xf32>
        %sub3A_1055 = arith.subf %get3A_1051, %get3A_1046 : vector<16xf32>
        %mul3A_1056 = arith.mulf %sub3A_1055, %get3A_975 : vector<16xf32>
        %add3A_1057 = arith.addf %mul3A_1054, %mul3A_1056 : vector<16xf32>
        %swap3A_1058 = arith.index_cast %rem3A_414 : i32 to index
        %swap3A_1059 = arith.index_cast %add3A_970 : i32 to index
        %swap3A_1060 = arith.constant 48 : index
        %swap3A_1061 = tpu.vector_load %arg9[%swap3A_1058, %swap3A_1059, %swap3A_1060] {strides = array<i32>} : memref<2x128x64xf32, #tpu.memory_space<vmem>>, vector<1x1x16xf32>,
        %swap3A_1062 = vector.shape_cast %swap3A_1061 : vector<1x1x16xf32> to vector<16xf32>
        %swap3A_1063 = vector.shape_cast %add3A_1057 : vector<16xf32> to vector<1x1x16xf32>
        tpu.vector_store %arg9[%swap3A_1058, %swap3A_1059, %swap3A_1060], %swap3A_1063 {strides = array<i32>} : memref<2x128x64xf32, #tpu.memory_space<vmem>>, vector<1x1x16xf32>,
        %mul3A_1064 = arith.constant 8 : i32
        %mul3A_1065 = arith.muli %scan3A_484, %mul3A_1064 : i32
        %add3A_1066 = arith.constant 6 : i32
        %add3A_1067 = arith.addi %mul3A_1065, %add3A_1066 : i32
        %get3A_1068 = arith.index_cast %rem3A_412 : i32 to index
        %get3A_1069 = arith.index_cast %scan3A_484 : i32 to index
        %get3A_1070 = arith.constant 96 : index
        %get3A_1071 = tpu.vector_load %arg8[%get3A_1068, %get3A_1069, %get3A_1070] {strides = array<i32>} : memref<5x16x128xf32, #tpu.memory_space<vmem>>, vector<1x1x16xf32>,
        %get3A_1072 = vector.shape_cast %get3A_1071 : vector<1x1x16xf32> to vector<16xf32>
        %get3A_1073 = arith.index_cast %rem3A_412 : i32 to index
        %get3A_1074 = arith.index_cast %add3A_1067 : i32 to index
        %get3A_1075 = arith.constant 0 : index
        %get3A_1076 = tpu.vector_load %arg7[%get3A_1073, %get3A_1074, %get3A_1075] {strides = array<i32>} : memref<5x128x128xf32, #tpu.memory_space<vmem>>, vector<1x1x16xf32>,
        %get3A_1077 = vector.shape_cast %get3A_1076 : vector<1x1x16xf32> to vector<16xf32>
        %get3A_1078 = arith.index_cast %rem3A_412 : i32 to index
        %get3A_1079 = arith.index_cast %add3A_1067 : i32 to index
        %get3A_1080 = arith.constant 64 : index
        %get3A_1081 = tpu.vector_load %arg7[%get3A_1078, %get3A_1079, %get3A_1080] {strides = array<i32>} : memref<5x128x128xf32, #tpu.memory_space<vmem>>, vector<1x1x16xf32>,
        %get3A_1082 = vector.shape_cast %get3A_1081 : vector<1x1x16xf32> to vector<16xf32>
        %mul3A_1083 = arith.constant 8.000000e+00 : f32
        %mul3A_1084 = vector.broadcast %mul3A_1083 : f32 to vector<16xf32>
        %mul3A_1085 = arith.mulf %get3A_1077, %mul3A_1084 : vector<16xf32>
        %sub3A_1086 = arith.subf %get3A_1082, %get3A_1077 : vector<16xf32>
        %mul3A_1087 = arith.mulf %sub3A_1086, %get3A_1072 : vector<16xf32>
        %add3A_1088 = arith.addf %mul3A_1085, %mul3A_1087 : vector<16xf32>
        %swap3A_1089 = arith.index_cast %rem3A_414 : i32 to index
        %swap3A_1090 = arith.index_cast %add3A_1067 : i32 to index
        %swap3A_1091 = arith.constant 0 : index
        %swap3A_1092 = tpu.vector_load %arg9[%swap3A_1089, %swap3A_1090, %swap3A_1091] {strides = array<i32>} : memref<2x128x64xf32, #tpu.memory_space<vmem>>, vector<1x1x16xf32>,
        %swap3A_1093 = vector.shape_cast %swap3A_1092 : vector<1x1x16xf32> to vector<16xf32>
        %swap3A_1094 = vector.shape_cast %add3A_1088 : vector<16xf32> to vector<1x1x16xf32>
        tpu.vector_store %arg9[%swap3A_1089, %swap3A_1090, %swap3A_1091], %swap3A_1094 {strides = array<i32>} : memref<2x128x64xf32, #tpu.memory_space<vmem>>, vector<1x1x16xf32>,
        %get3A_1095 = arith.index_cast %rem3A_412 : i32 to index
        %get3A_1096 = arith.index_cast %add3A_1067 : i32 to index
        %get3A_1097 = arith.constant 16 : index
        %get3A_1098 = tpu.vector_load %arg7[%get3A_1095, %get3A_1096, %get3A_1097] {strides = array<i32>} : memref<5x128x128xf32, #tpu.memory_space<vmem>>, vector<1x1x16xf32>,
        %get3A_1099 = vector.shape_cast %get3A_1098 : vector<1x1x16xf32> to vector<16xf32>
        %get3A_1100 = arith.index_cast %rem3A_412 : i32 to index
        %get3A_1101 = arith.index_cast %add3A_1067 : i32 to index
        %get3A_1102 = arith.constant 80 : index
        %get3A_1103 = tpu.vector_load %arg7[%get3A_1100, %get3A_1101, %get3A_1102] {strides = array<i32>} : memref<5x128x128xf32, #tpu.memory_space<vmem>>, vector<1x1x16xf32>,
        %get3A_1104 = vector.shape_cast %get3A_1103 : vector<1x1x16xf32> to vector<16xf32>
        %mul3A_1105 = arith.constant 8.000000e+00 : f32
        %mul3A_1106 = vector.broadcast %mul3A_1105 : f32 to vector<16xf32>
        %mul3A_1107 = arith.mulf %get3A_1099, %mul3A_1106 : vector<16xf32>
        %sub3A_1108 = arith.subf %get3A_1104, %get3A_1099 : vector<16xf32>
        %mul3A_1109 = arith.mulf %sub3A_1108, %get3A_1072 : vector<16xf32>
        %add3A_1110 = arith.addf %mul3A_1107, %mul3A_1109 : vector<16xf32>
        %swap3A_1111 = arith.index_cast %rem3A_414 : i32 to index
        %swap3A_1112 = arith.index_cast %add3A_1067 : i32 to index
        %swap3A_1113 = arith.constant 16 : index
        %swap3A_1114 = tpu.vector_load %arg9[%swap3A_1111, %swap3A_1112, %swap3A_1113] {strides = array<i32>} : memref<2x128x64xf32, #tpu.memory_space<vmem>>, vector<1x1x16xf32>,
        %swap3A_1115 = vector.shape_cast %swap3A_1114 : vector<1x1x16xf32> to vector<16xf32>
        %swap3A_1116 = vector.shape_cast %add3A_1110 : vector<16xf32> to vector<1x1x16xf32>
        tpu.vector_store %arg9[%swap3A_1111, %swap3A_1112, %swap3A_1113], %swap3A_1116 {strides = array<i32>} : memref<2x128x64xf32, #tpu.memory_space<vmem>>, vector<1x1x16xf32>,
        %get3A_1117 = arith.index_cast %rem3A_412 : i32 to index
        %get3A_1118 = arith.index_cast %add3A_1067 : i32 to index
        %get3A_1119 = arith.constant 32 : index
        %get3A_1120 = tpu.vector_load %arg7[%get3A_1117, %get3A_1118, %get3A_1119] {strides = array<i32>} : memref<5x128x128xf32, #tpu.memory_space<vmem>>, vector<1x1x16xf32>,
        %get3A_1121 = vector.shape_cast %get3A_1120 : vector<1x1x16xf32> to vector<16xf32>
        %get3A_1122 = arith.index_cast %rem3A_412 : i32 to index
        %get3A_1123 = arith.index_cast %add3A_1067 : i32 to index
        %get3A_1124 = arith.constant 96 : index
        %get3A_1125 = tpu.vector_load %arg7[%get3A_1122, %get3A_1123, %get3A_1124] {strides = array<i32>} : memref<5x128x128xf32, #tpu.memory_space<vmem>>, vector<1x1x16xf32>,
        %get3A_1126 = vector.shape_cast %get3A_1125 : vector<1x1x16xf32> to vector<16xf32>
        %mul3A_1127 = arith.constant 8.000000e+00 : f32
        %mul3A_1128 = vector.broadcast %mul3A_1127 : f32 to vector<16xf32>
        %mul3A_1129 = arith.mulf %get3A_1121, %mul3A_1128 : vector<16xf32>
        %sub3A_1130 = arith.subf %get3A_1126, %get3A_1121 : vector<16xf32>
        %mul3A_1131 = arith.mulf %sub3A_1130, %get3A_1072 : vector<16xf32>
        %add3A_1132 = arith.addf %mul3A_1129, %mul3A_1131 : vector<16xf32>
        %swap3A_1133 = arith.index_cast %rem3A_414 : i32 to index
        %swap3A_1134 = arith.index_cast %add3A_1067 : i32 to index
        %swap3A_1135 = arith.constant 32 : index
        %swap3A_1136 = tpu.vector_load %arg9[%swap3A_1133, %swap3A_1134, %swap3A_1135] {strides = array<i32>} : memref<2x128x64xf32, #tpu.memory_space<vmem>>, vector<1x1x16xf32>,
        %swap3A_1137 = vector.shape_cast %swap3A_1136 : vector<1x1x16xf32> to vector<16xf32>
        %swap3A_1138 = vector.shape_cast %add3A_1132 : vector<16xf32> to vector<1x1x16xf32>
        tpu.vector_store %arg9[%swap3A_1133, %swap3A_1134, %swap3A_1135], %swap3A_1138 {strides = array<i32>} : memref<2x128x64xf32, #tpu.memory_space<vmem>>, vector<1x1x16xf32>,
        %get3A_1139 = arith.index_cast %rem3A_412 : i32 to index
        %get3A_1140 = arith.index_cast %add3A_1067 : i32 to index
        %get3A_1141 = arith.constant 48 : index
        %get3A_1142 = tpu.vector_load %arg7[%get3A_1139, %get3A_1140, %get3A_1141] {strides = array<i32>} : memref<5x128x128xf32, #tpu.memory_space<vmem>>, vector<1x1x16xf32>,
        %get3A_1143 = vector.shape_cast %get3A_1142 : vector<1x1x16xf32> to vector<16xf32>
        %get3A_1144 = arith.index_cast %rem3A_412 : i32 to index
        %get3A_1145 = arith.index_cast %add3A_1067 : i32 to index
        %get3A_1146 = arith.constant 112 : index
        %get3A_1147 = tpu.vector_load %arg7[%get3A_1144, %get3A_1145, %get3A_1146] {strides = array<i32>} : memref<5x128x128xf32, #tpu.memory_space<vmem>>, vector<1x1x16xf32>,
        %get3A_1148 = vector.shape_cast %get3A_1147 : vector<1x1x16xf32> to vector<16xf32>
        %mul3A_1149 = arith.constant 8.000000e+00 : f32
        %mul3A_1150 = vector.broadcast %mul3A_1149 : f32 to vector<16xf32>
        %mul3A_1151 = arith.mulf %get3A_1143, %mul3A_1150 : vector<16xf32>
        %sub3A_1152 = arith.subf %get3A_1148, %get3A_1143 : vector<16xf32>
        %mul3A_1153 = arith.mulf %sub3A_1152, %get3A_1072 : vector<16xf32>
        %add3A_1154 = arith.addf %mul3A_1151, %mul3A_1153 : vector<16xf32>
        %swap3A_1155 = arith.index_cast %rem3A_414 : i32 to index
        %swap3A_1156 = arith.index_cast %add3A_1067 : i32 to index
        %swap3A_1157 = arith.constant 48 : index
        %swap3A_1158 = tpu.vector_load %arg9[%swap3A_1155, %swap3A_1156, %swap3A_1157] {strides = array<i32>} : memref<2x128x64xf32, #tpu.memory_space<vmem>>, vector<1x1x16xf32>,
        %swap3A_1159 = vector.shape_cast %swap3A_1158 : vector<1x1x16xf32> to vector<16xf32>
        %swap3A_1160 = vector.shape_cast %add3A_1154 : vector<16xf32> to vector<1x1x16xf32>
        tpu.vector_store %arg9[%swap3A_1155, %swap3A_1156, %swap3A_1157], %swap3A_1160 {strides = array<i32>} : memref<2x128x64xf32, #tpu.memory_space<vmem>>, vector<1x1x16xf32>,
        %mul3A_1161 = arith.constant 8 : i32
        %mul3A_1162 = arith.muli %scan3A_484, %mul3A_1161 : i32
        %add3A_1163 = arith.constant 7 : i32
        %add3A_1164 = arith.addi %mul3A_1162, %add3A_1163 : i32
        %get3A_1165 = arith.index_cast %rem3A_412 : i32 to index
        %get3A_1166 = arith.index_cast %scan3A_484 : i32 to index
        %get3A_1167 = arith.constant 112 : index
        %get3A_1168 = tpu.vector_load %arg8[%get3A_1165, %get3A_1166, %get3A_1167] {strides = array<i32>} : memref<5x16x128xf32, #tpu.memory_space<vmem>>, vector<1x1x16xf32>,
        %get3A_1169 = vector.shape_cast %get3A_1168 : vector<1x1x16xf32> to vector<16xf32>
        %get3A_1170 = arith.index_cast %rem3A_412 : i32 to index
        %get3A_1171 = arith.index_cast %add3A_1164 : i32 to index
        %get3A_1172 = arith.constant 0 : index
        %get3A_1173 = tpu.vector_load %arg7[%get3A_1170, %get3A_1171, %get3A_1172] {strides = array<i32>} : memref<5x128x128xf32, #tpu.memory_space<vmem>>, vector<1x1x16xf32>,
        %get3A_1174 = vector.shape_cast %get3A_1173 : vector<1x1x16xf32> to vector<16xf32>
        %get3A_1175 = arith.index_cast %rem3A_412 : i32 to index
        %get3A_1176 = arith.index_cast %add3A_1164 : i32 to index
        %get3A_1177 = arith.constant 64 : index
        %get3A_1178 = tpu.vector_load %arg7[%get3A_1175, %get3A_1176, %get3A_1177] {strides = array<i32>} : memref<5x128x128xf32, #tpu.memory_space<vmem>>, vector<1x1x16xf32>,
        %get3A_1179 = vector.shape_cast %get3A_1178 : vector<1x1x16xf32> to vector<16xf32>
        %mul3A_1180 = arith.constant 8.000000e+00 : f32
        %mul3A_1181 = vector.broadcast %mul3A_1180 : f32 to vector<16xf32>
        %mul3A_1182 = arith.mulf %get3A_1174, %mul3A_1181 : vector<16xf32>
        %sub3A_1183 = arith.subf %get3A_1179, %get3A_1174 : vector<16xf32>
        %mul3A_1184 = arith.mulf %sub3A_1183, %get3A_1169 : vector<16xf32>
        %add3A_1185 = arith.addf %mul3A_1182, %mul3A_1184 : vector<16xf32>
        %swap3A_1186 = arith.index_cast %rem3A_414 : i32 to index
        %swap3A_1187 = arith.index_cast %add3A_1164 : i32 to index
        %swap3A_1188 = arith.constant 0 : index
        %swap3A_1189 = tpu.vector_load %arg9[%swap3A_1186, %swap3A_1187, %swap3A_1188] {strides = array<i32>} : memref<2x128x64xf32, #tpu.memory_space<vmem>>, vector<1x1x16xf32>,
        %swap3A_1190 = vector.shape_cast %swap3A_1189 : vector<1x1x16xf32> to vector<16xf32>
        %swap3A_1191 = vector.shape_cast %add3A_1185 : vector<16xf32> to vector<1x1x16xf32>
        tpu.vector_store %arg9[%swap3A_1186, %swap3A_1187, %swap3A_1188], %swap3A_1191 {strides = array<i32>} : memref<2x128x64xf32, #tpu.memory_space<vmem>>, vector<1x1x16xf32>,
        %get3A_1192 = arith.index_cast %rem3A_412 : i32 to index
        %get3A_1193 = arith.index_cast %add3A_1164 : i32 to index
        %get3A_1194 = arith.constant 16 : index
        %get3A_1195 = tpu.vector_load %arg7[%get3A_1192, %get3A_1193, %get3A_1194] {strides = array<i32>} : memref<5x128x128xf32, #tpu.memory_space<vmem>>, vector<1x1x16xf32>,
        %get3A_1196 = vector.shape_cast %get3A_1195 : vector<1x1x16xf32> to vector<16xf32>
        %get3A_1197 = arith.index_cast %rem3A_412 : i32 to index
        %get3A_1198 = arith.index_cast %add3A_1164 : i32 to index
        %get3A_1199 = arith.constant 80 : index
        %get3A_1200 = tpu.vector_load %arg7[%get3A_1197, %get3A_1198, %get3A_1199] {strides = array<i32>} : memref<5x128x128xf32, #tpu.memory_space<vmem>>, vector<1x1x16xf32>,
        %get3A_1201 = vector.shape_cast %get3A_1200 : vector<1x1x16xf32> to vector<16xf32>
        %mul3A_1202 = arith.constant 8.000000e+00 : f32
        %mul3A_1203 = vector.broadcast %mul3A_1202 : f32 to vector<16xf32>
        %mul3A_1204 = arith.mulf %get3A_1196, %mul3A_1203 : vector<16xf32>
        %sub3A_1205 = arith.subf %get3A_1201, %get3A_1196 : vector<16xf32>
        %mul3A_1206 = arith.mulf %sub3A_1205, %get3A_1169 : vector<16xf32>
        %add3A_1207 = arith.addf %mul3A_1204, %mul3A_1206 : vector<16xf32>
        %swap3A_1208 = arith.index_cast %rem3A_414 : i32 to index
        %swap3A_1209 = arith.index_cast %add3A_1164 : i32 to index
        %swap3A_1210 = arith.constant 16 : index
        %swap3A_1211 = tpu.vector_load %arg9[%swap3A_1208, %swap3A_1209, %swap3A_1210] {strides = array<i32>} : memref<2x128x64xf32, #tpu.memory_space<vmem>>, vector<1x1x16xf32>,
        %swap3A_1212 = vector.shape_cast %swap3A_1211 : vector<1x1x16xf32> to vector<16xf32>
        %swap3A_1213 = vector.shape_cast %add3A_1207 : vector<16xf32> to vector<1x1x16xf32>
        tpu.vector_store %arg9[%swap3A_1208, %swap3A_1209, %swap3A_1210], %swap3A_1213 {strides = array<i32>} : memref<2x128x64xf32, #tpu.memory_space<vmem>>, vector<1x1x16xf32>,
        %get3A_1214 = arith.index_cast %rem3A_412 : i32 to index
        %get3A_1215 = arith.index_cast %add3A_1164 : i32 to index
        %get3A_1216 = arith.constant 32 : index
        %get3A_1217 = tpu.vector_load %arg7[%get3A_1214, %get3A_1215, %get3A_1216] {strides = array<i32>} : memref<5x128x128xf32, #tpu.memory_space<vmem>>, vector<1x1x16xf32>,
        %get3A_1218 = vector.shape_cast %get3A_1217 : vector<1x1x16xf32> to vector<16xf32>
        %get3A_1219 = arith.index_cast %rem3A_412 : i32 to index
        %get3A_1220 = arith.index_cast %add3A_1164 : i32 to index
        %get3A_1221 = arith.constant 96 : index
        %get3A_1222 = tpu.vector_load %arg7[%get3A_1219, %get3A_1220, %get3A_1221] {strides = array<i32>} : memref<5x128x128xf32, #tpu.memory_space<vmem>>, vector<1x1x16xf32>,
        %get3A_1223 = vector.shape_cast %get3A_1222 : vector<1x1x16xf32> to vector<16xf32>
        %mul3A_1224 = arith.constant 8.000000e+00 : f32
        %mul3A_1225 = vector.broadcast %mul3A_1224 : f32 to vector<16xf32>
        %mul3A_1226 = arith.mulf %get3A_1218, %mul3A_1225 : vector<16xf32>
        %sub3A_1227 = arith.subf %get3A_1223, %get3A_1218 : vector<16xf32>
        %mul3A_1228 = arith.mulf %sub3A_1227, %get3A_1169 : vector<16xf32>
        %add3A_1229 = arith.addf %mul3A_1226, %mul3A_1228 : vector<16xf32>
        %swap3A_1230 = arith.index_cast %rem3A_414 : i32 to index
        %swap3A_1231 = arith.index_cast %add3A_1164 : i32 to index
        %swap3A_1232 = arith.constant 32 : index
        %swap3A_1233 = tpu.vector_load %arg9[%swap3A_1230, %swap3A_1231, %swap3A_1232] {strides = array<i32>} : memref<2x128x64xf32, #tpu.memory_space<vmem>>, vector<1x1x16xf32>,
        %swap3A_1234 = vector.shape_cast %swap3A_1233 : vector<1x1x16xf32> to vector<16xf32>
        %swap3A_1235 = vector.shape_cast %add3A_1229 : vector<16xf32> to vector<1x1x16xf32>
        tpu.vector_store %arg9[%swap3A_1230, %swap3A_1231, %swap3A_1232], %swap3A_1235 {strides = array<i32>} : memref<2x128x64xf32, #tpu.memory_space<vmem>>, vector<1x1x16xf32>,
        %get3A_1236 = arith.index_cast %rem3A_412 : i32 to index
        %get3A_1237 = arith.index_cast %add3A_1164 : i32 to index
        %get3A_1238 = arith.constant 48 : index
        %get3A_1239 = tpu.vector_load %arg7[%get3A_1236, %get3A_1237, %get3A_1238] {strides = array<i32>} : memref<5x128x128xf32, #tpu.memory_space<vmem>>, vector<1x1x16xf32>,
        %get3A_1240 = vector.shape_cast %get3A_1239 : vector<1x1x16xf32> to vector<16xf32>
        %get3A_1241 = arith.index_cast %rem3A_412 : i32 to index
        %get3A_1242 = arith.index_cast %add3A_1164 : i32 to index
        %get3A_1243 = arith.constant 112 : index
        %get3A_1244 = tpu.vector_load %arg7[%get3A_1241, %get3A_1242, %get3A_1243] {strides = array<i32>} : memref<5x128x128xf32, #tpu.memory_space<vmem>>, vector<1x1x16xf32>,
        %get3A_1245 = vector.shape_cast %get3A_1244 : vector<1x1x16xf32> to vector<16xf32>
        %mul3A_1246 = arith.constant 8.000000e+00 : f32
        %mul3A_1247 = vector.broadcast %mul3A_1246 : f32 to vector<16xf32>
        %mul3A_1248 = arith.mulf %get3A_1240, %mul3A_1247 : vector<16xf32>
        %sub3A_1249 = arith.subf %get3A_1245, %get3A_1240 : vector<16xf32>
        %mul3A_1250 = arith.mulf %sub3A_1249, %get3A_1169 : vector<16xf32>
        %add3A_1251 = arith.addf %mul3A_1248, %mul3A_1250 : vector<16xf32>
        %swap3A_1252 = arith.index_cast %rem3A_414 : i32 to index
        %swap3A_1253 = arith.index_cast %add3A_1164 : i32 to index
        %swap3A_1254 = arith.constant 48 : index
        %swap3A_1255 = tpu.vector_load %arg9[%swap3A_1252, %swap3A_1253, %swap3A_1254] {strides = array<i32>} : memref<2x128x64xf32, #tpu.memory_space<vmem>>, vector<1x1x16xf32>,
        %swap3A_1256 = vector.shape_cast %swap3A_1255 : vector<1x1x16xf32> to vector<16xf32>
        %swap3A_1257 = vector.shape_cast %add3A_1251 : vector<16xf32> to vector<1x1x16xf32>
        tpu.vector_store %arg9[%swap3A_1252, %swap3A_1253, %swap3A_1254], %swap3A_1257 {strides = array<i32>} : memref<2x128x64xf32, #tpu.memory_space<vmem>>, vector<1x1x16xf32>,
      }
      %scan3A_459 = arith.constant 16 : i32
      %add3A_460 = arith.addi %mul3A_2, %scan3A_411 : i32
      %mul3A_461 = arith.constant 128 : i32
      %mul3A_462 = arith.muli %add3A_460, %mul3A_461 : i32
      %dma_start3A_463 = arith.constant 0 : i32
      %dma_start3A_464 = arith.constant 0 : i32
      %dma_start3A_465 = tpu.memref_slice %arg9[%rem3A_414, %dma_start3A_463, %dma_start3A_464] : memref<2x128x64xf32, #tpu.memory_space<vmem>> -> memref<1x128x64xf32, #tpu.memory_space<vmem>>
      %dma_start3A_466 = tpu.memref_squeeze %dma_start3A_465 : memref<1x128x64xf32, #tpu.memory_space<vmem>> -> memref<128x64xf32, #tpu.memory_space<vmem>>
      %dma_start3A_467 = arith.constant 0 : i32
      %dma_start3A_468 = tpu.memref_slice %arg5[%mul3A_462, %dma_start3A_467] : memref<819200x64xf32, #tpu.memory_space<hbm>> -> memref<128x64xf32, #tpu.memory_space<hbm>>
      %dma_start3A_469 = tpu.memref_slice %arg13[%rem3A_414] : memref<2x!tpu.dma_semaphore, #tpu.memory_space<semaphore_mem>> -> memref<1x!tpu.dma_semaphore, #tpu.memory_space<semaphore_mem>>
      %dma_start3A_470 = tpu.memref_squeeze %dma_start3A_469 : memref<1x!tpu.dma_semaphore, #tpu.memory_space<semaphore_mem>> -> memref<!tpu.dma_semaphore, #tpu.memory_space<semaphore_mem>>
      %dma_start3A_471 = arith.constant 0 : i32
      %dma_start3A_472 = tpu.memref_slice %arg5[%mul3A_462, %dma_start3A_471] : memref<819200x64xf32, #tpu.memory_space<hbm>> -> memref<128x64xf32, #tpu.memory_space<hbm>>
      %dma_start3A_473 = arith.constant 0 : i32
      %dma_start3A_474 = arith.constant 0 : i32
      %dma_start3A_475 = tpu.memref_slice %arg9[%rem3A_414, %dma_start3A_473, %dma_start3A_474] : memref<2x128x64xf32, #tpu.memory_space<vmem>> -> memref<1x128x64xf32, #tpu.memory_space<vmem>>
      %dma_start3A_476 = tpu.memref_squeeze %dma_start3A_475 : memref<1x128x64xf32, #tpu.memory_space<vmem>> -> memref<128x64xf32, #tpu.memory_space<vmem>>
      tpu.enqueue_dma source(%dma_start3A_476 : memref<128x64xf32, #tpu.memory_space<vmem>>) target(%dma_start3A_472 : memref<128x64xf32, #tpu.memory_space<hbm>>) target_semaphore(%dma_start3A_470 : memref<!tpu.dma_semaphore, #tpu.memory_space<semaphore_mem>>)
      %add3A_477 = arith.constant 5 : i32
      %add3A_478 = arith.addi %scan3A_411, %add3A_477 : i32
      %lt3A_479 = arith.constant 200 : i32
      %lt3A_480 = arith.cmpi slt, %add3A_478, %lt3A_479 : i32
      %convert_element_type3A_481 = arith.extui %lt3A_480 : i1 to i32
      %cond3A_482 = arith.constant 0 : i32
      %cond3A_483 = arith.cmpi ne, %convert_element_type3A_481, %cond3A_482 : i32
      scf.if %cond3A_483 {
        %add3A_484 = arith.constant 5 : i32
        %add3A_485 = arith.addi %scan3A_411, %add3A_484 : i32
        %add3A_486 = arith.addi %mul3A_2, %add3A_485 : i32
        %dma_wait3A_487 = arith.constant 0 : i32
        %dma_wait3A_488 = tpu.memref_slice %arg6[%rem3A_412, %dma_wait3A_487] : memref<5x128xi32, #tpu.memory_space<vmem>> -> memref<1x128xi32, #tpu.memory_space<vmem>>
        %dma_wait3A_489 = tpu.memref_squeeze %dma_wait3A_488 : memref<1x128xi32, #tpu.memory_space<vmem>> -> memref<128xi32, #tpu.memory_space<vmem>>
        %dma_wait3A_490 = arith.constant 0 : i32
        %dma_wait3A_491 = tpu.memref_slice %arg2[%add3A_486, %dma_wait3A_490] : memref<6400x128xi32, #tpu.memory_space<hbm>> -> memref<1x128xi32, #tpu.memory_space<hbm>>
        %dma_wait3A_492 = tpu.memref_squeeze %dma_wait3A_491 : memref<1x128xi32, #tpu.memory_space<hbm>> -> memref<128xi32, #tpu.memory_space<hbm>>
        %dma_wait3A_493 = tpu.memref_slice %arg10[%rem3A_412] : memref<5x!tpu.dma_semaphore, #tpu.memory_space<semaphore_mem>> -> memref<1x!tpu.dma_semaphore, #tpu.memory_space<semaphore_mem>>
        %dma_wait3A_494 = tpu.memref_squeeze %dma_wait3A_493 : memref<1x!tpu.dma_semaphore, #tpu.memory_space<semaphore_mem>> -> memref<!tpu.dma_semaphore, #tpu.memory_space<semaphore_mem>>
        %dma_wait3A_495 = arith.constant 0 : i32
        %dma_wait3A_496 = tpu.memref_slice %arg6[%rem3A_412, %dma_wait3A_495] : memref<5x128xi32, #tpu.memory_space<vmem>> -> memref<1x128xi32, #tpu.memory_space<vmem>>
        %dma_wait3A_497 = tpu.memref_squeeze %dma_wait3A_496 : memref<1x128xi32, #tpu.memory_space<vmem>> -> memref<128xi32, #tpu.memory_space<vmem>>
        %dma_wait3A_498 = arith.constant 0 : i32
        %dma_wait3A_499 = tpu.memref_slice %arg2[%add3A_486, %dma_wait3A_498] : memref<6400x128xi32, #tpu.memory_space<hbm>> -> memref<1x128xi32, #tpu.memory_space<hbm>>
        %dma_wait3A_500 = tpu.memref_squeeze %dma_wait3A_499 : memref<1x128xi32, #tpu.memory_space<hbm>> -> memref<128xi32, #tpu.memory_space<hbm>>
        tpu.wait_dma2 semaphore(%dma_wait3A_494 : memref<!tpu.dma_semaphore, #tpu.memory_space<semaphore_mem>>) src(%dma_wait3A_500 : memref<128xi32, #tpu.memory_space<hbm>>) dst(%dma_wait3A_497 : memref<128xi32, #tpu.memory_space<vmem>>)
        %add3A_501 = arith.constant 5 : i32
        %add3A_502 = arith.addi %scan3A_411, %add3A_501 : i32
        %dma_start3A_503 = arith.constant 0 : i32
        %dma_start3A_504 = arith.constant 0 : i32
        %dma_start3A_505 = tpu.memref_slice %arg7[%rem3A_412, %dma_start3A_503, %dma_start3A_504] : memref<5x128x128xf32, #tpu.memory_space<vmem>> -> memref<1x128x128xf32, #tpu.memory_space<vmem>>
        %dma_start3A_506 = tpu.memref_squeeze %dma_start3A_505 : memref<1x128x128xf32, #tpu.memory_space<vmem>> -> memref<128x128xf32, #tpu.memory_space<vmem>>
        %dma_start3A_507 = arith.constant 0 : i32
        %dma_start3A_508 = tpu.memref_slice %arg6[%rem3A_412, %dma_start3A_507] : memref<5x128xi32, #tpu.memory_space<vmem>> -> memref<1x128xi32, #tpu.memory_space<vmem>>
        %dma_start3A_509 = tpu.memref_squeeze %dma_start3A_508 : memref<1x128xi32, #tpu.memory_space<vmem>> -> memref<128xi32, #tpu.memory_space<vmem>>
        %dma_start3A_510 = arith.constant 0 : i32
        %dma_start3A_511 = arith.constant 0 : i32
        %dma_start3A_512 = tpu.memref_slice %arg3[%dma_start3A_510, %dma_start3A_511] : memref<500000x128xf32, #tpu.memory_space<hbm>> -> memref<500000x128xf32, #tpu.memory_space<hbm>>
        %dma_start3A_513 = tpu.memref_slice %arg11[%rem3A_412] : memref<5x!tpu.dma_semaphore, #tpu.memory_space<semaphore_mem>> -> memref<1x!tpu.dma_semaphore, #tpu.memory_space<semaphore_mem>>
        %dma_start3A_514 = tpu.memref_squeeze %dma_start3A_513 : memref<1x!tpu.dma_semaphore, #tpu.memory_space<semaphore_mem>> -> memref<!tpu.dma_semaphore, #tpu.memory_space<semaphore_mem>>
        tpu.enqueue_indirect_dma source(%dma_start3A_512 : memref<500000x128xf32, #tpu.memory_space<hbm>>) target(%dma_start3A_506 : memref<128x128xf32, #tpu.memory_space<vmem>>) offsets(%dma_start3A_509 : memref<128xi32, #tpu.memory_space<vmem>>) semaphore(%dma_start3A_514 : memref<!tpu.dma_semaphore, #tpu.memory_space<semaphore_mem>>)
        %add3A_515 = arith.addi %mul3A_2, %add3A_502 : i32
        %dma_start3A_516 = arith.constant 0 : i32
        %dma_start3A_517 = arith.constant 0 : i32
        %dma_start3A_518 = tpu.memref_slice %arg8[%rem3A_412, %dma_start3A_516, %dma_start3A_517] : memref<5x16x128xf32, #tpu.memory_space<vmem>> -> memref<1x16x128xf32, #tpu.memory_space<vmem>>
        %dma_start3A_519 = tpu.memref_squeeze %dma_start3A_518 : memref<1x16x128xf32, #tpu.memory_space<vmem>> -> memref<16x128xf32, #tpu.memory_space<vmem>>
        %dma_start3A_520 = arith.constant 0 : i32
        %dma_start3A_521 = arith.constant 0 : i32
        %dma_start3A_522 = tpu.memref_slice %arg4[%add3A_515, %dma_start3A_520, %dma_start3A_521] : memref<6400x16x128xf32, #tpu.memory_space<hbm>> -> memref<1x16x128xf32, #tpu.memory_space<hbm>>
        %dma_start3A_523 = tpu.memref_squeeze %dma_start3A_522 : memref<1x16x128xf32, #tpu.memory_space<hbm>> -> memref<16x128xf32, #tpu.memory_space<hbm>>
        %dma_start3A_524 = tpu.memref_slice %arg12[%rem3A_412] : memref<5x!tpu.dma_semaphore, #tpu.memory_space<semaphore_mem>> -> memref<1x!tpu.dma_semaphore, #tpu.memory_space<semaphore_mem>>
        %dma_start3A_525 = tpu.memref_squeeze %dma_start3A_524 : memref<1x!tpu.dma_semaphore, #tpu.memory_space<semaphore_mem>> -> memref<!tpu.dma_semaphore, #tpu.memory_space<semaphore_mem>>
        %dma_start3A_526 = arith.constant 0 : i32
        %dma_start3A_527 = arith.constant 0 : i32
        %dma_start3A_528 = tpu.memref_slice %arg8[%rem3A_412, %dma_start3A_526, %dma_start3A_527] : memref<5x16x128xf32, #tpu.memory_space<vmem>> -> memref<1x16x128xf32, #tpu.memory_space<vmem>>
        %dma_start3A_529 = tpu.memref_squeeze %dma_start3A_528 : memref<1x16x128xf32, #tpu.memory_space<vmem>> -> memref<16x128xf32, #tpu.memory_space<vmem>>
        %dma_start3A_530 = arith.constant 0 : i32
        %dma_start3A_531 = arith.constant 0 : i32
        %dma_start3A_532 = tpu.memref_slice %arg4[%add3A_515, %dma_start3A_530, %dma_start3A_531] : memref<6400x16x128xf32, #tpu.memory_space<hbm>> -> memref<1x16x128xf32, #tpu.memory_space<hbm>>
        %dma_start3A_533 = tpu.memref_squeeze %dma_start3A_532 : memref<1x16x128xf32, #tpu.memory_space<hbm>> -> memref<16x128xf32, #tpu.memory_space<hbm>>
        tpu.enqueue_dma source(%dma_start3A_533 : memref<16x128xf32, #tpu.memory_space<hbm>>) target(%dma_start3A_529 : memref<16x128xf32, #tpu.memory_space<vmem>>) target_semaphore(%dma_start3A_525 : memref<!tpu.dma_semaphore, #tpu.memory_space<semaphore_mem>>)
      } else {
      }
    }
    %scan3A_370 = arith.constant 200 : i32
    %add3A_371 = arith.constant 198 : i32
    %add3A_372 = arith.addi %mul3A_2, %add3A_371 : i32
    %mul3A_373 = arith.constant 128 : i32
    %mul3A_374 = arith.muli %add3A_372, %mul3A_373 : i32
    %dma_wait3A_375 = arith.constant 0 : i32
    %dma_wait3A_376 = arith.constant 0 : i32
    %dma_wait3A_377 = arith.constant 0 : i32
    %dma_wait3A_378 = arith.constant 0 : i32
    %dma_wait3A_379 = tpu.memref_slice %arg9[%dma_wait3A_375, %dma_wait3A_377, %dma_wait3A_378] : memref<2x128x64xf32, #tpu.memory_space<vmem>> -> memref<1x128x64xf32, #tpu.memory_space<vmem>>
    %dma_wait3A_380 = tpu.memref_squeeze %dma_wait3A_379 : memref<1x128x64xf32, #tpu.memory_space<vmem>> -> memref<128x64xf32, #tpu.memory_space<vmem>>
    %dma_wait3A_381 = arith.constant 0 : i32
    %dma_wait3A_382 = tpu.memref_slice %arg5[%mul3A_374, %dma_wait3A_381] : memref<819200x64xf32, #tpu.memory_space<hbm>> -> memref<128x64xf32, #tpu.memory_space<hbm>>
    %dma_wait3A_383 = tpu.memref_slice %arg13[%dma_wait3A_376] : memref<2x!tpu.dma_semaphore, #tpu.memory_space<semaphore_mem>> -> memref<1x!tpu.dma_semaphore, #tpu.memory_space<semaphore_mem>>
    %dma_wait3A_384 = tpu.memref_squeeze %dma_wait3A_383 : memref<1x!tpu.dma_semaphore, #tpu.memory_space<semaphore_mem>> -> memref<!tpu.dma_semaphore, #tpu.memory_space<semaphore_mem>>
    %dma_wait3A_385 = arith.constant 0 : i32
    %dma_wait3A_386 = tpu.memref_slice %arg5[%mul3A_374, %dma_wait3A_385] : memref<819200x64xf32, #tpu.memory_space<hbm>> -> memref<128x64xf32, #tpu.memory_space<hbm>>
    %dma_wait3A_387 = arith.constant 0 : i32
    %dma_wait3A_388 = arith.constant 0 : i32
    %dma_wait3A_389 = tpu.memref_slice %arg9[%dma_wait3A_375, %dma_wait3A_387, %dma_wait3A_388] : memref<2x128x64xf32, #tpu.memory_space<vmem>> -> memref<1x128x64xf32, #tpu.memory_space<vmem>>
    %dma_wait3A_390 = tpu.memref_squeeze %dma_wait3A_389 : memref<1x128x64xf32, #tpu.memory_space<vmem>> -> memref<128x64xf32, #tpu.memory_space<vmem>>
    tpu.wait_dma2 semaphore(%dma_wait3A_384 : memref<!tpu.dma_semaphore, #tpu.memory_space<semaphore_mem>>) src(%dma_wait3A_390 : memref<128x64xf32, #tpu.memory_space<vmem>>) dst(%dma_wait3A_386 : memref<128x64xf32, #tpu.memory_space<hbm>>)
    %add3A_391 = arith.constant 199 : i32
    %add3A_392 = arith.addi %mul3A_2, %add3A_391 : i32
    %mul3A_393 = arith.constant 128 : i32
    %mul3A_394 = arith.muli %add3A_392, %mul3A_393 : i32
    %dma_wait3A_395 = arith.constant 1 : i32
    %dma_wait3A_396 = arith.constant 1 : i32
    %dma_wait3A_397 = arith.constant 0 : i32
    %dma_wait3A_398 = arith.constant 0 : i32
    %dma_wait3A_399 = tpu.memref_slice %arg9[%dma_wait3A_395, %dma_wait3A_397, %dma_wait3A_398] : memref<2x128x64xf32, #tpu.memory_space<vmem>> -> memref<1x128x64xf32, #tpu.memory_space<vmem>>
    %dma_wait3A_400 = tpu.memref_squeeze %dma_wait3A_399 : memref<1x128x64xf32, #tpu.memory_space<vmem>> -> memref<128x64xf32, #tpu.memory_space<vmem>>
    %dma_wait3A_401 = arith.constant 0 : i32
    %dma_wait3A_402 = tpu.memref_slice %arg5[%mul3A_394, %dma_wait3A_401] : memref<819200x64xf32, #tpu.memory_space<hbm>> -> memref<128x64xf32, #tpu.memory_space<hbm>>
    %dma_wait3A_403 = tpu.memref_slice %arg13[%dma_wait3A_396] : memref<2x!tpu.dma_semaphore, #tpu.memory_space<semaphore_mem>> -> memref<1x!tpu.dma_semaphore, #tpu.memory_space<semaphore_mem>>
    %dma_wait3A_404 = tpu.memref_squeeze %dma_wait3A_403 : memref<1x!tpu.dma_semaphore, #tpu.memory_space<semaphore_mem>> -> memref<!tpu.dma_semaphore, #tpu.memory_space<semaphore_mem>>
    %dma_wait3A_405 = arith.constant 0 : i32
    %dma_wait3A_406 = tpu.memref_slice %arg5[%mul3A_394, %dma_wait3A_405] : memref<819200x64xf32, #tpu.memory_space<hbm>> -> memref<128x64xf32, #tpu.memory_space<hbm>>
    %dma_wait3A_407 = arith.constant 0 : i32
    %dma_wait3A_408 = arith.constant 0 : i32
    %dma_wait3A_409 = tpu.memref_slice %arg9[%dma_wait3A_395, %dma_wait3A_407, %dma_wait3A_408] : memref<2x128x64xf32, #tpu.memory_space<vmem>> -> memref<1x128x64xf32, #tpu.memory_space<vmem>>
    %dma_wait3A_410 = tpu.memref_squeeze %dma_wait3A_409 : memref<1x128x64xf32, #tpu.memory_space<vmem>> -> memref<128x64xf32, #tpu.memory_space<vmem>>
    tpu.wait_dma2 semaphore(%dma_wait3A_404 : memref<!tpu.dma_semaphore, #tpu.memory_space<semaphore_mem>>) src(%dma_wait3A_410 : memref<128x64xf32, #tpu.memory_space<vmem>>) dst(%dma_wait3A_406 : memref<128x64xf32, #tpu.memory_space<hbm>>)
    return
  }
}

</mosaic_0001>

<sc_bundles>
// kernel: kernel.3.cloned.1.call-start
scs
__scs_entry_jumppad:
0x0: {  	(pc) =	sbr.rel $0x88, $3  }
0x1: {  	(tag) =	ssettag $0x0;
	lr =	simm.s32 $0x1  }
0x2: {  	[smem:$0x3F9F] =	sst lr;
	_ =	strace $0xD0000000  }
0x3: {  	_ = 	snop  }
0x4: {  	_ = 	snop  }
0x5: {  	_ = 	snop  }
0x6: {  	_ = 	snop  }
0x7: {  	_ = 	snop  }
__scs_overlays_trampoline_lowered:
0x8: {  	[smem:$0x3FAE] =	sst s0  }
0x9: {  	[smem:$0x3FAF] =	sst s1  }
0xa: {  	[smem:$0x3FB0] =	sst s2  }
0xb: {  	[smem:$0x3FB1] =	sst s3  }
0xc: {  	[smem:$0x3FB2] =	sst s4  }
0xd: {  	[smem:$0x3FB3] =	sst s5  }
0xe: {  	[smem:$0x3FB4] =	sst s6  }
0xf: {  	[smem:$0x3FB5] =	sst s7  }
0x10: {  	[smem:$0x3FB6] =	sst s8  }
0x11: {  	[smem:$0x3FB7] =	sst s9;
	s0 =	simm.s32 @!p0 $0x0  }
0x12: {  	s1 =	sld [smem:$0x3F9D];
	s0 =	simm.s32 @p0 $0x1  }
0x13: {  	[smem:$0x3FB8] =	sst s0;
	s0 =	simm.s32 @!p1 $0x0  }
0x14: {  	s2 =	sld [smem:$0x3F9C];
	s0 =	simm.s32 @p1 $0x1  }
0x15: {  	[smem:$0x3FB9] =	sst s0;
	s0 =	simm.s32 @!p2 $0x0  }
0x16: {  	s3 =	sld [smem:$0x3FDB];
	s0 =	simm.s32 @p2 $0x1  }
0x17: {  	s4 =	simm.s32 $0x1BF5;
	[smem:$0x3FBB] =	sst s0  }
0x18: {  	s0 =	sld [smem:$0x3F9E];
	_ =	swait.ge [sflag:s4], $0x0  }
0x19: {  	s7 =	sld [smem:$0x3F9F]  }
0x1a: {  	s8 =	sadd.s32 $0xFFFFE003, lr  }
0x1b: {  	s9 =	sadd.s32 $0xFFFFFEF7, lr;
	s5 =	simm.s32 $0xFFFFFFFF;
	p2 =	slt.u32 s8, $0xFFFFF086  }
0x1c: {  	p1 =	slt.u32 s9, $0xF7A;
	s5 =	simm.s32 @!p2 $0x0  }
0x1d: {  	s5 =	simm.s32 @p1 $0x1;
	p0 =	seq.s32 s7, s2  }
0x1e: {  	s7 =	smul.u32 @!p0 $0xF7A, s2;
	p2 =	seq.s32 @!p0 s5, $0x0  }
0x1f: {  	s9 =	smul.u32 $0xF7A, s1;
	s8 =	simm.s32 @!p0 $0x1BF5;
	p2 =	por !p2, p0  }
0x20: {  	[sflag:s8] =	ssyncset.s32 @!p0 $0xFFFFF086;
	s6 =	sadd.s32 @!p0 s3, s7;
	s7 =	simm.s32 @!p0 $0x108  }
0x21: {  	s3 =	sadd.s32 s3, s9;
	s6 =	sadd.s32 @!p0 $0x88, s6;
	s7 =	simm.s32 @p2 $0x1082  }
0x22: {  	[simem:s7], [sflag:s8] =	dma.local @!p0 [hbm:s6], $0xF7A  }
0x23: {  	s9 =	sor.u32 $0xD0000000, s2;
	s6 =	simm.s32 $0x108;
	_ =	swait.ge @!p0 [sflag:s8], $0x0  }
0x24: {  	s3 =	sadd.s32 $0x88, s3;
	s6 =	simm.s32 @!p1 $0x1082;
	[sflag:s4] =	ssyncset.s32 $0xFFFFF086  }
0x25: {  	[simem:s6], [sflag:s4] =	dma.local [hbm:s3], $0xF7A  }
0x26: {  	[smem:$0x3F9F] =	sst s1;
	(tag) =	ssettag s2;
	_ =	strace s9  }
0x27: {  	s1 =	sld [smem:$0x3FAF]  }
0x28: {  	s2 =	sld [smem:$0x3FB0]  }
0x29: {  	s4 =	sld [smem:$0x3FB2]  }
0x2a: {  	p0 =	seq.s32 s5, $0x0;
	s5 =	sld [smem:$0x3FB3]  }
0x2b: {  	s6 =	sld [smem:$0x3FB4]  }
0x2c: {  	s7 =	sld [smem:$0x3FB5]  }
0x2d: {  	s3 =	simm.s32 $0x108;
	s8 =	sld [smem:$0x3FB6]  }
0x2e: {  	s3 =	simm.s32 @!p0 $0x1082;
	s9 =	sld [smem:$0x3FB7]  }
0x2f: {  	lr =	sadd.s32 s0, s3;
	s0 =	sld [smem:$0x3FAE]  }
0x30: {  	s3 =	sld [smem:$0x3FB1]  }
0x31: {  	[smem:$0x3FBA] =	sst s10  }
0x32: {  	s10 =	sld [smem:$0x3FB8];
	_ =	sdelay $0x3  }
0x33: {  	p0 =	seq.s32 s10, $0x1;
	s10 =	sld [smem:$0x3FBA];
	_ =	sdelay $0x3  }
0x34: {  	[smem:$0x3FBA] =	sst s10  }
0x35: {  	s10 =	sld [smem:$0x3FB9];
	_ =	sdelay $0x3  }
0x36: {  	p1 =	seq.s32 s10, $0x1;
	s10 =	sld [smem:$0x3FBA];
	_ =	sdelay $0x3  }
0x37: {  	[smem:$0x3FBA] =	sst s10  }
0x38: {  	s10 =	sld [smem:$0x3FBB]  }
0x39: {  	_ = 	snop;
	(pc) =	sbr.ind lr, $3  }
0x3a: {  	_ = 	snop  }
0x3b: {  	_ = 	snop  }
0x3c: {  	p2 =	seq.s32 s10, $0x1;
	s10 =	sld [smem:$0x3FBA]  }
0x3d: {  	_ =	shalt  }
0x3e: {  	_ =	shalt  }
0x3f: {  	_ =	shalt  }
0x40: {  	_ =	shalt  }
0x41: {  	_ =	shalt  }
0x42: {  	_ =	shalt  }
0x43: {  	_ =	shalt  }
0x44: {  	_ =	shalt  }
0x45: {  	_ =	shalt  }
0x46: {  	_ =	shalt  }
0x47: {  	_ =	shalt  }
0x48: {  	_ =	shalt  }
0x49: {  	_ =	shalt  }
0x4a: {  	_ =	shalt  }
0x4b: {  	_ =	shalt  }
0x4c: {  	_ =	shalt  }
0x4d: {  	_ =	shalt  }
0x4e: {  	_ =	shalt  }
0x4f: {  	_ =	shalt  }
0x50: {  	_ =	shalt  }
0x51: {  	_ =	shalt  }
0x52: {  	_ =	shalt  }
0x53: {  	_ =	shalt  }
0x54: {  	_ =	shalt  }
0x55: {  	_ =	shalt  }
0x56: {  	_ =	shalt  }
0x57: {  	_ =	shalt  }
0x58: {  	_ =	shalt  }
0x59: {  	_ =	shalt  }
0x5a: {  	_ =	shalt  }
0x5b: {  	_ =	shalt  }
0x5c: {  	_ =	shalt  }
0x5d: {  	_ =	shalt  }
0x5e: {  	_ =	shalt  }
0x5f: {  	_ =	shalt  }
0x60: {  	_ =	shalt  }
0x61: {  	_ =	shalt  }
0x62: {  	_ =	shalt  }
0x63: {  	_ =	shalt  }
0x64: {  	_ =	shalt  }
0x65: {  	_ =	shalt  }
0x66: {  	_ =	shalt  }
0x67: {  	_ =	shalt  }
0x68: {  	_ =	shalt  }
0x69: {  	_ =	shalt  }
0x6a: {  	_ =	shalt  }
0x6b: {  	_ =	shalt  }
0x6c: {  	_ =	shalt  }
0x6d: {  	_ =	shalt  }
0x6e: {  	_ =	shalt  }
0x6f: {  	_ =	shalt  }
0x70: {  	_ =	shalt  }
0x71: {  	_ =	shalt  }
0x72: {  	_ =	shalt  }
0x73: {  	_ =	shalt  }
0x74: {  	_ =	shalt  }
0x75: {  	_ =	shalt  }
0x76: {  	_ =	shalt  }
0x77: {  	_ =	shalt  }
0x78: {  	_ =	shalt  }
0x79: {  	_ =	shalt  }
0x7a: {  	_ =	shalt  }
0x7b: {  	_ =	shalt  }
0x7c: {  	_ =	shalt  }
0x7d: {  	_ =	shalt  }
0x7e: {  	_ =	shalt  }
0x7f: {  	_ =	shalt  }
0x80: {  	_ =	shalt  }
0x81: {  	_ =	shalt  }
0x82: {  	_ =	shalt  }
0x83: {  	_ =	shalt  }
0x84: {  	_ =	shalt  }
0x85: {  	_ =	shalt  }
0x86: {  	_ =	shalt  }
0x87: {  	_ =	shalt  }
.Lfunc_end0:
.L_simem_size_0:
called_computation.1_lowered:
.L_overlay_start_0:
0x88: {  	s2 =	sld [smem:$0x3FD9]  }
0x89: {  	s3 =	sld [smem:$0x3FFE];
	_ =	sdelay $0x1  }
0x8a: {  	s1 =	srdreg.scid  }
0x8b: {  	s0 =	sand.u32 $0x1, s1  }
0x8c: {  	s17 =	sshll.u32 s0, $0xA;
	s2 =	sadd.s32 s3, s2  }
0x8d: {  	s2 =	sadd.s32 s2, s17  }
0x8e: {  	[smem:$0x3FC6] =	sst s2  }
0x8f: {  	_ = 	snop  }
0x90: {  	s2 =	sld [smem:$0x3FD0];
	(tm) =	ssettm $0x1  }
0x91: {  	s18 =	sld [smem:$0x3FFB];
	_ =	sdelay $0x3  }
0x92: {  	_ =	strace s18  }
0x93: {  	s3 =	sld [smem:$0x3FFC];
	_ =	sdelay $0x3  }
0x94: {  	_ =	strace s3  }
0x95: {  	s3 =	sld [smem:$0x3FFD];
	_ =	sdelay $0x3  }
0x96: {  	_ =	strace s3  }
0x97: {  	_ =	strace $0x8FFFFFFF  }
0x98: {  	s19 =	sld [smem:$0x3FDB];
	_ =	sdelay $0x1  }
0x99: {  	s4 =	simm.s32 $_scs_section_size  }
0x9a: {  	s5 =	simm.s32 $_size__tile_overlayer_lowered;
	s6 =	simm.s32 $_tile_overlayer_lowered  }
0x9b: {  	s22 =	simm.s32 $0x1BFF;
	s21 =	sshll.u32 s6, $0x1;
	s3 =	sadd.s32 s4, s19  }
0x9c: {  	s7 =	simm.s32 $0x0;
	s20 =	sshll.u32 s5, $0x1;
	s5 =	sadd.s32 s21, s3  }
0x9d: {  	[timem:s7], [sflag:s22] =	dma.local [hbm:s5], s20  }
0x9e: {  	_ =	swait.ge [sflag:s22], s20  }
0x9f: {  	s4 =	ssub.s32 $0x0, s20;
	[sflag:s22] =	ssyncset.done $0x0  }
0xa0: {  	[sflag:s22] =	ssyncadd.s32 s4;
	_ =	sdelay $0x1  }
0xa1: {  	s23 =	simm.s32 $0x1B8B  }
0xa2: {  	_ =	swait.ge [sflag:s23], $0x1  }
0xa3: {  	[sflag:s23] =	ssyncset.done $0x0  }
0xa4: {  	s25 =	simm.s32 $0x1B8E;
	s24 =	sld [smem:$0x3FFE];
	[sflag:s23] =	ssyncadd.s32 $0xFFFFFFFF  }
0xa5: {  	s26 =	simm.s32 $execute0_lowered;
	[smem:$0x3FD2] =	sst s25  }
0xa6: {  	s5 =	sshll.u32 s26, $0x1;
	_ =	strace $0x80000046;
	[dreg:$0x1] =	wrdreg $0xFFFFFFFF  }
0xa7: {  	s28 =	simm.s32 $_size_execute0_lowered;
	s3 =	sadd.s32 s3, s5;
	[dreg:$0x0] =	wrdreg $0x0  }
0xa8: {  	s5 =	sshll.u32 s28, $0x1;
	[dreg:$0x2] =	wrdreg s3  }
0xa9: {  	[dreg:$0x3] =	wrdreg s5  }
0xaa: {  	[dreg:$0x4] =	wrdreg $0xC0  }
0xab: {  	_ =	task [dreg:s7], $0x5FFFF  }
0xac: {  	[dreg:$0x1] =	wrdreg $0xFFFFFFFF  }
0xad: {  	[dreg:$0x0] =	wrdreg $0x60  }
0xae: {  	[dreg:$0x2] =	wrdreg s2  }
0xaf: {  	[dreg:$0x3] =	wrdreg s24  }
0xb0: {  	[dreg:$0x4] =	wrdreg $0x9  }
0xb1: {  	_ =	task.clear_ibuf [dreg:s7], $0x5FFFF;
	_ =	strace $0x90000046  }
0xb2: {  	s29 =	simm.s32 $0x9;
	_ =	strace $0x80000048  }
0xb3: {  	_ =	swait.ge [sflag:s29], $0x1  }
0xb4: {  	[sflag:s29] =	ssyncadd.s32 $0xFFFFFFFF  }
0xb5: {  	_ =	strace $0x90000048  }
0xb6: {  	_ =	sfence  }
0xb7: {  	s30 =	sld [smem:$0x0];
	_ =	sdelay $0x2  }
0xb8: {  	s31 =	sshll.u32 s1, $0xD;
	s1 =	sshrl.u32 s1, $0x2  }
0xb9: {  	s3 =	sand.u32 $0x4000, s31;
	s1 =	sadd.s32 s1, s30  }
0xba: {  	s0 =	sor.u32 s3, s0;
	s1 =	sshll.u32 s1, $0x11  }
0xbb: {  	s0 =	sor.u32 s1, s0  }
0xbc: {  	s0 =	sadd.s32 $0x8F2B, s0  }
0xbd: {  	[sflag:s0] =	ssyncadd.remote.s32 $0x1  }
0xbe: {  	_ =	sfence.sel $0xFFFF  }
0xbf: {  	[dreg:$0x0] =	wrdreg $0xFFFFFFFF;
	(pc) =	sbr.abs _section_cstart, $3  }
0xc0: {  	[dreg:$0x1] =	wrdreg $0xFFFFFFFF  }
0xc1: {  	_ =	task.clear_ibuf [dreg:s7], $0x2FFFF;
	_ =	strace $0x9FFFFFFF  }
0xc2: {  	(tm) =	ssettm $0x7FFFFFFF  }
0xc3: {  	_ =	shalt  }
tec
execute0_lowered:
.L_overlay_start_1:
0x0: {  	(tag) =	ssettag $0x1  }
0x1: {  	s1 =	rddreg [dreg:$0x0]  }
0x2: {  	s0 =	rddreg [dreg:$0x1]  }
0x3: {  	s2 =	srdreg.scid;
	s4 =	stileid.u32  }
0x4: {  	s3 =	simm.s32 $0x0;
	s2 =	sand.u32 $0x1, s2;
	s4 =	sshll.u32 s4, $0x1  }
0x5: {  	[smem:$0x7FF] =	sst s3;
	s7 =	sor.u32 s2, s4  }
0x6: {  	s5 =	sadd.s32 $0x19E00, s0;
	s6 =	sadd.s32 $0x1A9E00, s0;
	s8 =	smul.u32 $0xC80, s7  }
0x7: {  	_ =	strace $0x80000047;
	s20 =	ssub.s32 $0x2, s2;
	s9 =	smul.u32 $0xC800, s7  }
0x8: {  	s4 =	sadd.s32 $0xF5C200, s0;
	s2 =	sshrl.u32 s20, $0x1;
	s10 =	sadd.s32 s1, s8  }
0x9: {  	s0 =	ssub.s32 s20, s2;
	s24 =	sadd.s32 s5, s9;
	[dreg:$0x3] =	wrdreg s10  }
0xa: {  	s0 =	smax.u32 s0, $0x1;
	[dreg:$0x7] =	wrdreg s24  }
0xb: {  	s21 =	sadd.s32 $0x10, s10;
	[dreg:$0xd] =	wrdreg s0  }
0xc: {  	s22 =	sadd.s32 $0x20, s10;
	[dreg:$0x4] =	wrdreg s21  }
0xd: {  	s23 =	sadd.s32 $0x30, s10;
	[dreg:$0x5] =	wrdreg s22  }
0xe: {  	s25 =	sadd.s32 $0x40, s10;
	[dreg:$0x6] =	wrdreg s23  }
0xf: {  	s19 =	simm.s32 $0x80;
	s26 =	sadd.s32 $0x100, s24;
	[dreg:$0x8] =	wrdreg s25  }
0x10: {  	s29 =	simm.s32 $0x3;
	s28 =	sadd.s32 $0x200, s24;
	[dreg:$0x9] =	wrdreg s26  }
0x11: {  	s31 =	simm.s32 $0x10;
	s30 =	sadd.s32 $0x300, s24;
	[dreg:$0xa] =	wrdreg s28  }
0x12: {  	s8 =	smul.u32 $0xC8, s7;
	s2 =	sadd.s32 $0x400, s24;
	[dreg:$0xb] =	wrdreg s30  }
0x13: {  	s0 =	simm.s32 $0x4;
	s24 =	simm.s32 $0x0;
	[dreg:$0xc] =	wrdreg s2  }
0x14: {  	s25 =	simm.s32 $0x2;
	s26 =	simm.s32 $0x5;
	s2 =	simm.s32 $0x11  }
.LBB2_1:
0x15: {  	s7 =	rddreg [dreg:$0x3]  }
0x16: {  	[tilespmem:s3], [sflag:$0x1] =	stream.linear.gather [hbm4b:s7+s3], $0x80, $0x38;
	[tilespmem:$0x1EC00] =	vst v63  }
0x17: {  	s16 =	rddreg [dreg:$0x4]  }
0x18: {  	[tilespmem:s19], [sflag:$0x2] =	stream.linear.gather [hbm4b:s16+s3], $0x80, $0x38;
	[tilespmem:$0x1EC00] =	vst v63  }
0x19: {  	s17 =	rddreg [dreg:$0x5];
	s9 =	simm.s32 $0x100  }
0x1a: {  	[tilespmem:s9], [sflag:$0x3] =	stream.linear.gather [hbm4b:s17+s3], $0x80, $0x38;
	[tilespmem:$0x1EC00] =	vst v63  }
0x1b: {  	s18 =	rddreg [dreg:$0x6];
	s10 =	simm.s32 $0x180  }
0x1c: {  	[tilespmem:s10], [sflag:$0x4] =	stream.linear.gather [hbm4b:s18+s3], $0x80, $0x38;
	[tilespmem:$0x1EC00] =	vst v63  }
0x1d: {  	s20 =	rddreg [dreg:$0x8];
	s11 =	simm.s32 $0x200;
	s21 =	simm.s32 $0x1  }
0x1e: {  	[tilespmem:s11], [sflag:$0x5] =	stream.linear.gather [hbm4b:s20+s3], $0x80, $0x38;
	[tilespmem:$0x1EC00] =	vst v63  }
0x1f: {  	_ =	swait.ge [sflag:s21], $0x80  }
0x20: {  	[sflag:s21] =	ssyncset.done $0x0  }
0x21: {  	s22 =	simm.s32 $0x400;
	[sflag:s21] =	ssyncadd.s32 $0xFFFFFF80  }
0x22: {  	[tilespmem:s22], [sflag:$0x6] =	stream.indirect.gather [hbm4b:s4+s19], $0x80, s3, s19, $0xb8;
	[tilespmem:$0x1EC00] =	vst v63  }
0x23: {  	s28 =	simm.s32 $0x14400;
	s23 =	rddreg [dreg:$0x7]  }
0x24: {  	[tilespmem:s28], [sflag:$0xB] =	stream.linear.gather [hbm4b:s23+s3], $0x800, $0x38;
	[tilespmem:$0x1EC00] =	vst v63  }
0x25: {  	_ =	swait.ge [sflag:s25], $0x80  }
0x26: {  	[sflag:s25] =	ssyncset.done $0x0  }
0x27: {  	s12 =	simm.s32 $0x4400;
	[sflag:s25] =	ssyncadd.s32 $0xFFFFFF80  }
0x28: {  	[tilespmem:s12], [sflag:$0x7] =	stream.indirect.gather [hbm4b:s4+s19], $0x80, s19, s19, $0xb8;
	[tilespmem:$0x1EC00] =	vst v63  }
0x29: {  	s13 =	rddreg [dreg:$0x9];
	s12 =	simm.s32 $0x14C00  }
0x2a: {  	[tilespmem:s12], [sflag:$0xC] =	stream.linear.gather [hbm4b:s13+s3], $0x800, $0x38;
	[tilespmem:$0x1EC00] =	vst v63  }
0x2b: {  	_ =	swait.ge [sflag:s29], $0x80  }
0x2c: {  	[sflag:s29] =	ssyncset.done $0x0  }
0x2d: {  	s14 =	simm.s32 $0x8400;
	[sflag:s29] =	ssyncadd.s32 $0xFFFFFF80  }
0x2e: {  	[tilespmem:s14], [sflag:$0x8] =	stream.indirect.gather [hbm4b:s4+s19], $0x80, s9, s19, $0xb8;
	[tilespmem:$0x1EC00] =	vst v63  }
0x2f: {  	s16 =	simm.s32 $0x15400;
	s15 =	rddreg [dreg:$0xa]  }
0x30: {  	[tilespmem:s16], [sflag:$0xD] =	stream.linear.gather [hbm4b:s15+s3], $0x800, $0x38;
	[tilespmem:$0x1EC00] =	vst v63  }
0x31: {  	_ =	swait.ge [sflag:s0], $0x80  }
0x32: {  	[sflag:s0] =	ssyncset.done $0x0  }
0x33: {  	s17 =	simm.s32 $0xC400;
	[sflag:s0] =	ssyncadd.s32 $0xFFFFFF80  }
0x34: {  	[tilespmem:s17], [sflag:$0x9] =	stream.indirect.gather [hbm4b:s4+s19], $0x80, s10, s19, $0xb8;
	[tilespmem:$0x1EC00] =	vst v63  }
0x35: {  	s20 =	simm.s32 $0x15C00;
	s18 =	rddreg [dreg:$0xb]  }
0x36: {  	[tilespmem:s20], [sflag:$0xE] =	stream.linear.gather [hbm4b:s18+s3], $0x800, $0x38;
	[tilespmem:$0x1EC00] =	vst v63  }
0x37: {  	_ =	swait.ge [sflag:s26], $0x80  }
0x38: {  	s30 =	simm.s32 $0x7F0;
	[sflag:s26] =	ssyncset.done $0x0  }
0x39: {  	p0 =	por $0x0, $0x0;
	s21 =	simm.s32 $0x10400;
	[sflag:s26] =	ssyncadd.s32 $0xFFFFFF80  }
0x3a: {  	[tilespmem:s21], [sflag:$0xA] =	stream.indirect.gather [hbm4b:s4+s19], $0x80, s11, s19, $0xb8;
	[tilespmem:$0x1EC00] =	vst v63  }
0x3b: {  	s23 =	simm.s32 $0x16400;
	s9 =	simm.s32 $0x0;
	s22 =	rddreg [dreg:$0xc]  }
0x3c: {  	[tilespmem:s23], [sflag:$0xF] =	stream.linear.gather [hbm4b:s22+s3], $0x800, $0x38;
	[tilespmem:$0x1EC00] =	vst v63  }
.LBB2_2:
0x3d: {  	s7 =	smul.u32 $0xCD, s9;
	_ =	sdelay $0x1  }
0x3e: {  	s7 =	sshrl.u32 s7, $0xA  }
0x3f: {  	s7 =	sand.u32 $0x3F, s7  }
0x40: {  	s7 =	smul.u32 $0x5, s7  }
0x41: {  	s12 =	sadd.s32 $0x5, s9  }
0x42: {  	p1 =	sgt.u32 s9, $0xC2;
	s23 =	smulhi.u32 $0xCCCCCCCD, s9;
	s7 =	ssub.s32 s9, s7  }
0x43: {  	s17 =	simm.s32 $0x1;
	s13 =	sadd.s32 @!p1 s8, s12;
	s7 =	sand.u32 $0xFF, s7  }
0x44: {  	s12 =	sshll.u32 @!p1 s12, $0x4;
	p2 =	slt.u32 @!p1 s9, $0x2;
	s11 =	sadd.s32 $0x6, s7  }
0x45: {  	s17 =	simm.s32 @!p0 $0x0;
	s14 =	sshll.u32 @!p1 s13, $0x4;
	_ =	swait.ge [sflag:s11], $0x4000  }
0x46: {  	s12 =	sand.u32 @!p1 $0x70, s12;
	p2 =	por p1, !p2;
	[sflag:s11] =	ssyncset.done $0x0  }
0x47: {  	s17 =	sshll.u32 s17, $0xE;
	s10 =	sadd.s32 $0xB, s7;
	[sflag:s11] =	ssyncadd.s32 $0xFFFFC000  }
0x48: {  	s15 =	sand.u32 @!p1 $0xFFFFF80, s14;
	s12 =	sadd.s32 @!p1 s1, s12;
	_ =	swait.ge [sflag:s10], $0x800  }
0x49: {  	s12 =	sadd.s32 @!p1 s15, s12;
	s15 =	simm.s32 @!p1 $0x0;
	[sflag:s10] =	ssyncset.done $0x0  }
0x4a: {  	s20 =	sshll.u32 @!p1 s7, $0x7;
	s14 =	sadd.s32 @!p1 $0x1, s7;
	[sflag:s10] =	ssyncadd.s32 $0xFFFFF800  }
0x4b: {  	[tilespmem:s20], [sflag:s14] =	stream.linear.gather @!p1 [hbm4b:s12+s15], $0x80, $0x38;
	[tilespmem:$0x1EC00] =	vst v63  }
0x4c: {  	s17 =	sadd.s32 $0x16E00, s17;
	s18 =	sshll.u32 s7, $0xE;
	s15 =	sshrl.u32 s23, $0x2  }
0x4d: {  	s7 =	sshll.u32 s7, $0xB;
	s12 =	sand.u32 $0x1, s9;
	s16 =	smul.u32 $0xFFFF6000, s15  }
0x4e: {  	s22 =	sor.u32 $0x400, s18;
	s21 =	sor.u32 $0x10, s12;
	s15 =	smul.u32 $0xFFFB0000, s15  }
0x4f: {  	s18 =	sadd.s32 s8, s9;
	_ =	swait.ge @p2 [sflag:s21], $0x4000;
	s16 =	sshra.s32 s16, $0x2  }
0x50: {  	[sflag:s21] =	ssyncset.done @p2 $0x0;
	s15 =	sshra.s32 s15, $0x2;
	s23 =	sadd.s32 s16, s28  }
0x51: {  	s12 =	sshll.u32 s12, $0xE;
	[sflag:s21] =	ssyncadd.s32 @p2 $0xFFFFC000;
	s16 =	sadd.s32 s15, s30;
	v0 =	vmov s23  }
0x52: {  	s15 =	sor.u32 $0x14400, s7;
	s7 =	sadd.s32 $0x16C00, s12;
	s12 =	simm.s32 $0x0  }
.LBB2_3:
0x53: {  	v1 =	vld [tilespmem:s16+$0xFFFFFC10]  }
0x54: {  	v2 =	vld [tilespmem:s16+$0xFFFFFC50]  }
0x55: {  	s23 =	sshra.s32 s12, $0x2  }
0x56: {  	v3 =	vld.idx.msk [tilespmem:v0+s23+$0x0 ss:$0x1], $0xffff;
	_ =	sdelay $0x2  }
0x57: {  	v2 =	vsub.f32 v2, v1;
	_ =	sdelay $0x1  }
0x58: {  	v1 =	vmul.f32 $8.000000000e+00, v1;
	v2 =	vmul.f32 v2, v3;
	_ =	sdelay $0x1  }
0x59: {  	v1 =	vadd.f32 v2, v1;
	_ =	sdelay $0x1  }
0x5a: {  	[tilespmem:s17+$0xFFFFFE00] =	vst v1  }
0x5b: {  	v1 =	vld [tilespmem:s16+$0xFFFFFC20]  }
0x5c: {  	v2 =	vld [tilespmem:s16+$0xFFFFFC60];
	_ =	sdelay $0x4  }
0x5d: {  	v2 =	vsub.f32 v2, v1;
	_ =	sdelay $0x1  }
0x5e: {  	v1 =	vmul.f32 $8.000000000e+00, v1;
	v2 =	vmul.f32 v2, v3;
	_ =	sdelay $0x1  }
0x5f: {  	v1 =	vadd.f32 v2, v1;
	_ =	sdelay $0x1  }
0x60: {  	[tilespmem:s17+$0xFFFFFE10] =	vst v1  }
0x61: {  	v1 =	vld [tilespmem:s16+$0xFFFFFC30]  }
0x62: {  	v2 =	vld [tilespmem:s16+$0xFFFFFC70];
	_ =	sdelay $0x4  }
0x63: {  	v2 =	vsub.f32 v2, v1;
	_ =	sdelay $0x1  }
0x64: {  	v1 =	vmul.f32 $8.000000000e+00, v1;
	v2 =	vmul.f32 v2, v3;
	_ =	sdelay $0x1  }
0x65: {  	v1 =	vadd.f32 v2, v1;
	_ =	sdelay $0x1  }
0x66: {  	[tilespmem:s17+$0xFFFFFE20] =	vst v1  }
0x67: {  	v1 =	vld [tilespmem:s16+$0xFFFFFC40]  }
0x68: {  	v2 =	vld [tilespmem:s16+$0xFFFFFC80];
	_ =	sdelay $0x4  }
0x69: {  	v2 =	vsub.f32 v2, v1;
	_ =	sdelay $0x1  }
0x6a: {  	v1 =	vmul.f32 $8.000000000e+00, v1;
	v2 =	vmul.f32 v2, v3;
	_ =	sdelay $0x1  }
0x6b: {  	v1 =	vadd.f32 v2, v1;
	_ =	sdelay $0x1  }
0x6c: {  	[tilespmem:s17+$0xFFFFFE30] =	vst v1  }
0x6d: {  	v1 =	vld [tilespmem:s16+$0xFFFFFC90]  }
0x6e: {  	v2 =	vld [tilespmem:s16+$0xFFFFFCD0];
	_ =	sdelay $0x1  }
0x6f: {  	v3 =	vld.idx.msk [tilespmem:v0+s23+$0x10 ss:$0x1], $0xffff;
	_ =	sdelay $0x2  }
0x70: {  	v2 =	vsub.f32 v2, v1;
	_ =	sdelay $0x1  }
0x71: {  	v1 =	vmul.f32 $8.000000000e+00, v1;
	v2 =	vmul.f32 v2, v3;
	_ =	sdelay $0x1  }
0x72: {  	v1 =	vadd.f32 v2, v1;
	_ =	sdelay $0x1  }
0x73: {  	[tilespmem:s17+$0xFFFFFE80] =	vst v1  }
0x74: {  	v1 =	vld [tilespmem:s16+$0xFFFFFCA0]  }
0x75: {  	v2 =	vld [tilespmem:s16+$0xFFFFFCE0];
	_ =	sdelay $0x4  }
0x76: {  	v2 =	vsub.f32 v2, v1;
	_ =	sdelay $0x1  }
0x77: {  	v1 =	vmul.f32 $8.000000000e+00, v1;
	v2 =	vmul.f32 v2, v3;
	_ =	sdelay $0x1  }
0x78: {  	v1 =	vadd.f32 v2, v1;
	_ =	sdelay $0x1  }
0x79: {  	[tilespmem:s17+$0xFFFFFE90] =	vst v1  }
0x7a: {  	v1 =	vld [tilespmem:s16+$0xFFFFFCB0]  }
0x7b: {  	v2 =	vld [tilespmem:s16+$0xFFFFFCF0];
	_ =	sdelay $0x4  }
0x7c: {  	v2 =	vsub.f32 v2, v1;
	_ =	sdelay $0x1  }
0x7d: {  	v1 =	vmul.f32 $8.000000000e+00, v1;
	v2 =	vmul.f32 v2, v3;
	_ =	sdelay $0x1  }
0x7e: {  	v1 =	vadd.f32 v2, v1;
	_ =	sdelay $0x1  }
0x7f: {  	[tilespmem:s17+$0xFFFFFEA0] =	vst v1  }
0x80: {  	v1 =	vld [tilespmem:s16+$0xFFFFFCC0]  }
0x81: {  	v2 =	vld [tilespmem:s16+$0xFFFFFD00];
	_ =	sdelay $0x4  }
0x82: {  	v2 =	vsub.f32 v2, v1;
	_ =	sdelay $0x1  }
0x83: {  	v1 =	vmul.f32 $8.000000000e+00, v1;
	v2 =	vmul.f32 v2, v3;
	_ =	sdelay $0x1  }
0x84: {  	v1 =	vadd.f32 v2, v1;
	_ =	sdelay $0x1  }
0x85: {  	[tilespmem:s17+$0xFFFFFEB0] =	vst v1  }
0x86: {  	v1 =	vld [tilespmem:s16+$0xFFFFFD10]  }
0x87: {  	v2 =	vld [tilespmem:s16+$0xFFFFFD50];
	_ =	sdelay $0x1  }
0x88: {  	v3 =	vld.idx.msk [tilespmem:v0+s23+$0x20 ss:$0x1], $0xffff;
	_ =	sdelay $0x2  }
0x89: {  	v2 =	vsub.f32 v2, v1;
	_ =	sdelay $0x1  }
0x8a: {  	v1 =	vmul.f32 $8.000000000e+00, v1;
	v2 =	vmul.f32 v2, v3;
	_ =	sdelay $0x1  }
0x8b: {  	v1 =	vadd.f32 v2, v1;
	_ =	sdelay $0x1  }
0x8c: {  	[tilespmem:s17+$0xFFFFFF00] =	vst v1  }
0x8d: {  	v1 =	vld [tilespmem:s16+$0xFFFFFD20]  }
0x8e: {  	v2 =	vld [tilespmem:s16+$0xFFFFFD60];
	_ =	sdelay $0x4  }
0x8f: {  	v2 =	vsub.f32 v2, v1;
	_ =	sdelay $0x1  }
0x90: {  	v1 =	vmul.f32 $8.000000000e+00, v1;
	v2 =	vmul.f32 v2, v3;
	_ =	sdelay $0x1  }
0x91: {  	v1 =	vadd.f32 v2, v1;
	_ =	sdelay $0x1  }
0x92: {  	[tilespmem:s17+$0xFFFFFF10] =	vst v1  }
0x93: {  	v1 =	vld [tilespmem:s16+$0xFFFFFD30]  }
0x94: {  	v2 =	vld [tilespmem:s16+$0xFFFFFD70];
	_ =	sdelay $0x4  }
0x95: {  	v2 =	vsub.f32 v2, v1;
	_ =	sdelay $0x1  }
0x96: {  	v1 =	vmul.f32 $8.000000000e+00, v1;
	v2 =	vmul.f32 v2, v3;
	_ =	sdelay $0x1  }
0x97: {  	v1 =	vadd.f32 v2, v1;
	_ =	sdelay $0x1  }
0x98: {  	[tilespmem:s17+$0xFFFFFF20] =	vst v1  }
0x99: {  	v1 =	vld [tilespmem:s16+$0xFFFFFD40]  }
0x9a: {  	v2 =	vld [tilespmem:s16+$0xFFFFFD80];
	_ =	sdelay $0x4  }
0x9b: {  	v2 =	vsub.f32 v2, v1;
	_ =	sdelay $0x1  }
0x9c: {  	v1 =	vmul.f32 $8.000000000e+00, v1;
	v2 =	vmul.f32 v2, v3;
	_ =	sdelay $0x1  }
0x9d: {  	v1 =	vadd.f32 v2, v1;
	_ =	sdelay $0x1  }
0x9e: {  	[tilespmem:s17+$0xFFFFFF30] =	vst v1  }
0x9f: {  	v1 =	vld [tilespmem:s16+$0xFFFFFD90]  }
0xa0: {  	v2 =	vld [tilespmem:s16+$0xFFFFFDD0];
	_ =	sdelay $0x1  }
0xa1: {  	v3 =	vld.idx.msk [tilespmem:v0+s23+$0x30 ss:$0x1], $0xffff;
	_ =	sdelay $0x2  }
0xa2: {  	v2 =	vsub.f32 v2, v1;
	_ =	sdelay $0x1  }
0xa3: {  	v1 =	vmul.f32 $8.000000000e+00, v1;
	v2 =	vmul.f32 v2, v3;
	_ =	sdelay $0x1  }
0xa4: {  	v1 =	vadd.f32 v2, v1;
	_ =	sdelay $0x1  }
0xa5: {  	[tilespmem:s17+$0xFFFFFF80] =	vst v1  }
0xa6: {  	v1 =	vld [tilespmem:s16+$0xFFFFFDA0]  }
0xa7: {  	v2 =	vld [tilespmem:s16+$0xFFFFFDE0];
	_ =	sdelay $0x4  }
0xa8: {  	v2 =	vsub.f32 v2, v1;
	_ =	sdelay $0x1  }
0xa9: {  	v1 =	vmul.f32 $8.000000000e+00, v1;
	v2 =	vmul.f32 v2, v3;
	_ =	sdelay $0x1  }
0xaa: {  	v1 =	vadd.f32 v2, v1;
	_ =	sdelay $0x1  }
0xab: {  	[tilespmem:s17+$0xFFFFFF90] =	vst v1  }
0xac: {  	v1 =	vld [tilespmem:s16+$0xFFFFFDB0]  }
0xad: {  	v2 =	vld [tilespmem:s16+$0xFFFFFDF0];
	_ =	sdelay $0x4  }
0xae: {  	v2 =	vsub.f32 v2, v1;
	_ =	sdelay $0x1  }
0xaf: {  	v1 =	vmul.f32 $8.000000000e+00, v1;
	v2 =	vmul.f32 v2, v3;
	_ =	sdelay $0x1  }
0xb0: {  	v1 =	vadd.f32 v2, v1;
	_ =	sdelay $0x1  }
0xb1: {  	[tilespmem:s17+$0xFFFFFFA0] =	vst v1  }
0xb2: {  	v1 =	vld [tilespmem:s16+$0xFFFFFDC0]  }
0xb3: {  	v2 =	vld [tilespmem:s16+$0xFFFFFE00];
	_ =	sdelay $0x4  }
0xb4: {  	v2 =	vsub.f32 v2, v1;
	_ =	sdelay $0x1  }
0xb5: {  	v1 =	vmul.f32 $8.000000000e+00, v1;
	v2 =	vmul.f32 v2, v3;
	_ =	sdelay $0x1  }
0xb6: {  	v1 =	vadd.f32 v2, v1;
	_ =	sdelay $0x1  }
0xb7: {  	[tilespmem:s17+$0xFFFFFFB0] =	vst v1  }
0xb8: {  	v1 =	vld [tilespmem:s16+$0xFFFFFE10]  }
0xb9: {  	v2 =	vld [tilespmem:s16+$0xFFFFFE50];
	_ =	sdelay $0x1  }
0xba: {  	v3 =	vld.idx.msk [tilespmem:v0+s23+$0x40 ss:$0x1], $0xffff;
	_ =	sdelay $0x2  }
0xbb: {  	v2 =	vsub.f32 v2, v1;
	_ =	sdelay $0x1  }
0xbc: {  	v1 =	vmul.f32 $8.000000000e+00, v1;
	v2 =	vmul.f32 v2, v3;
	_ =	sdelay $0x1  }
0xbd: {  	v1 =	vadd.f32 v2, v1;
	_ =	sdelay $0x1  }
0xbe: {  	[tilespmem:s17+$0x0] =	vst v1  }
0xbf: {  	v1 =	vld [tilespmem:s16+$0xFFFFFE20]  }
0xc0: {  	v2 =	vld [tilespmem:s16+$0xFFFFFE60];
	_ =	sdelay $0x4  }
0xc1: {  	v2 =	vsub.f32 v2, v1;
	_ =	sdelay $0x1  }
0xc2: {  	v1 =	vmul.f32 $8.000000000e+00, v1;
	v2 =	vmul.f32 v2, v3;
	_ =	sdelay $0x1  }
0xc3: {  	v1 =	vadd.f32 v2, v1;
	_ =	sdelay $0x1  }
0xc4: {  	[tilespmem:s17+$0x10] =	vst v1  }
0xc5: {  	v1 =	vld [tilespmem:s16+$0xFFFFFE30]  }
0xc6: {  	v2 =	vld [tilespmem:s16+$0xFFFFFE70];
	_ =	sdelay $0x4  }
0xc7: {  	v2 =	vsub.f32 v2, v1;
	_ =	sdelay $0x1  }
0xc8: {  	v1 =	vmul.f32 $8.000000000e+00, v1;
	v2 =	vmul.f32 v2, v3;
	_ =	sdelay $0x1  }
0xc9: {  	v1 =	vadd.f32 v2, v1;
	_ =	sdelay $0x1  }
0xca: {  	[tilespmem:s17+$0x20] =	vst v1  }
0xcb: {  	v1 =	vld [tilespmem:s16+$0xFFFFFE40]  }
0xcc: {  	v2 =	vld [tilespmem:s16+$0xFFFFFE80];
	_ =	sdelay $0x4  }
0xcd: {  	v2 =	vsub.f32 v2, v1;
	_ =	sdelay $0x1  }
0xce: {  	v1 =	vmul.f32 $8.000000000e+00, v1;
	v2 =	vmul.f32 v2, v3;
	_ =	sdelay $0x1  }
0xcf: {  	v1 =	vadd.f32 v2, v1;
	_ =	sdelay $0x1  }
0xd0: {  	[tilespmem:s17+$0x30] =	vst v1  }
0xd1: {  	v1 =	vld [tilespmem:s16+$0xFFFFFE90]  }
0xd2: {  	v2 =	vld [tilespmem:s16+$0xFFFFFED0];
	_ =	sdelay $0x1  }
0xd3: {  	v3 =	vld.idx.msk [tilespmem:v0+s23+$0x50 ss:$0x1], $0xffff;
	_ =	sdelay $0x2  }
0xd4: {  	v2 =	vsub.f32 v2, v1;
	_ =	sdelay $0x1  }
0xd5: {  	v1 =	vmul.f32 $8.000000000e+00, v1;
	v2 =	vmul.f32 v2, v3;
	_ =	sdelay $0x1  }
0xd6: {  	v1 =	vadd.f32 v2, v1;
	_ =	sdelay $0x1  }
0xd7: {  	[tilespmem:s17+$0x80] =	vst v1  }
0xd8: {  	v1 =	vld [tilespmem:s16+$0xFFFFFEA0]  }
0xd9: {  	v2 =	vld [tilespmem:s16+$0xFFFFFEE0];
	_ =	sdelay $0x4  }
0xda: {  	v2 =	vsub.f32 v2, v1;
	_ =	sdelay $0x1  }
0xdb: {  	v1 =	vmul.f32 $8.000000000e+00, v1;
	v2 =	vmul.f32 v2, v3;
	_ =	sdelay $0x1  }
0xdc: {  	v1 =	vadd.f32 v2, v1;
	_ =	sdelay $0x1  }
0xdd: {  	[tilespmem:s17+$0x90] =	vst v1  }
0xde: {  	v1 =	vld [tilespmem:s16+$0xFFFFFEB0]  }
0xdf: {  	v2 =	vld [tilespmem:s16+$0xFFFFFEF0];
	_ =	sdelay $0x4  }
0xe0: {  	v2 =	vsub.f32 v2, v1;
	_ =	sdelay $0x1  }
0xe1: {  	v1 =	vmul.f32 $8.000000000e+00, v1;
	v2 =	vmul.f32 v2, v3;
	_ =	sdelay $0x1  }
0xe2: {  	v1 =	vadd.f32 v2, v1;
	_ =	sdelay $0x1  }
0xe3: {  	[tilespmem:s17+$0xA0] =	vst v1  }
0xe4: {  	v1 =	vld [tilespmem:s16+$0xFFFFFEC0]  }
0xe5: {  	v2 =	vld [tilespmem:s16+$0xFFFFFF00];
	_ =	sdelay $0x4  }
0xe6: {  	v2 =	vsub.f32 v2, v1;
	_ =	sdelay $0x1  }
0xe7: {  	v1 =	vmul.f32 $8.000000000e+00, v1;
	v2 =	vmul.f32 v2, v3;
	_ =	sdelay $0x1  }
0xe8: {  	v1 =	vadd.f32 v2, v1;
	_ =	sdelay $0x1  }
0xe9: {  	[tilespmem:s17+$0xB0] =	vst v1  }
0xea: {  	v1 =	vld [tilespmem:s16+$0xFFFFFF10]  }
0xeb: {  	v2 =	vld [tilespmem:s16+$0xFFFFFF50];
	_ =	sdelay $0x1  }
0xec: {  	v3 =	vld.idx.msk [tilespmem:v0+s23+$0x60 ss:$0x1], $0xffff;
	_ =	sdelay $0x2  }
0xed: {  	v2 =	vsub.f32 v2, v1;
	_ =	sdelay $0x1  }
0xee: {  	v1 =	vmul.f32 $8.000000000e+00, v1;
	v2 =	vmul.f32 v2, v3;
	_ =	sdelay $0x1  }
0xef: {  	v1 =	vadd.f32 v2, v1;
	_ =	sdelay $0x1  }
0xf0: {  	[tilespmem:s17+$0x100] =	vst v1  }
0xf1: {  	v1 =	vld [tilespmem:s16+$0xFFFFFF20]  }
0xf2: {  	v2 =	vld [tilespmem:s16+$0xFFFFFF60];
	_ =	sdelay $0x4  }
0xf3: {  	v2 =	vsub.f32 v2, v1;
	_ =	sdelay $0x1  }
0xf4: {  	v1 =	vmul.f32 $8.000000000e+00, v1;
	v2 =	vmul.f32 v2, v3;
	_ =	sdelay $0x1  }
0xf5: {  	v1 =	vadd.f32 v2, v1;
	_ =	sdelay $0x1  }
0xf6: {  	[tilespmem:s17+$0x110] =	vst v1  }
0xf7: {  	v1 =	vld [tilespmem:s16+$0xFFFFFF30]  }
0xf8: {  	v2 =	vld [tilespmem:s16+$0xFFFFFF70];
	_ =	sdelay $0x4  }
0xf9: {  	v2 =	vsub.f32 v2, v1;
	_ =	sdelay $0x1  }
0xfa: {  	v1 =	vmul.f32 $8.000000000e+00, v1;
	v2 =	vmul.f32 v2, v3;
	_ =	sdelay $0x1  }
0xfb: {  	v1 =	vadd.f32 v2, v1;
	_ =	sdelay $0x1  }
0xfc: {  	[tilespmem:s17+$0x120] =	vst v1  }
0xfd: {  	v1 =	vld [tilespmem:s16+$0xFFFFFF40]  }
0xfe: {  	v2 =	vld [tilespmem:s16+$0xFFFFFF80];
	_ =	sdelay $0x4  }
0xff: {  	v2 =	vsub.f32 v2, v1;
	_ =	sdelay $0x1  }
0x100: {  	v1 =	vmul.f32 $8.000000000e+00, v1;
	v2 =	vmul.f32 v2, v3;
	_ =	sdelay $0x1  }
0x101: {  	v1 =	vadd.f32 v2, v1;
	_ =	sdelay $0x1  }
0x102: {  	[tilespmem:s17+$0x130] =	vst v1  }
0x103: {  	v1 =	vld [tilespmem:s16+$0xFFFFFF90]  }
0x104: {  	v2 =	vld [tilespmem:s16+$0xFFFFFFD0];
	_ =	sdelay $0x1  }
0x105: {  	v3 =	vld.idx.msk [tilespmem:v0+s23+$0x70 ss:$0x1], $0xffff;
	_ =	sdelay $0x2  }
0x106: {  	v2 =	vsub.f32 v2, v1;
	_ =	sdelay $0x1  }
0x107: {  	v1 =	vmul.f32 $8.000000000e+00, v1;
	v2 =	vmul.f32 v2, v3;
	_ =	sdelay $0x1  }
0x108: {  	v1 =	vadd.f32 v2, v1;
	_ =	sdelay $0x1  }
0x109: {  	[tilespmem:s17+$0x180] =	vst v1  }
0x10a: {  	v1 =	vld [tilespmem:s16+$0xFFFFFFA0]  }
0x10b: {  	v2 =	vld [tilespmem:s16+$0xFFFFFFE0];
	_ =	sdelay $0x4  }
0x10c: {  	v2 =	vsub.f32 v2, v1;
	_ =	sdelay $0x1  }
0x10d: {  	v1 =	vmul.f32 $8.000000000e+00, v1;
	v2 =	vmul.f32 v2, v3;
	_ =	sdelay $0x1  }
0x10e: {  	v1 =	vadd.f32 v2, v1;
	_ =	sdelay $0x1  }
0x10f: {  	[tilespmem:s17+$0x190] =	vst v1  }
0x110: {  	v1 =	vld [tilespmem:s16+$0xFFFFFFB0]  }
0x111: {  	v2 =	vld [tilespmem:s16+$0xFFFFFFF0];
	_ =	sdelay $0x4  }
0x112: {  	v2 =	vsub.f32 v2, v1;
	_ =	sdelay $0x1  }
0x113: {  	v1 =	vmul.f32 $8.000000000e+00, v1;
	v2 =	vmul.f32 v2, v3;
	_ =	sdelay $0x1  }
0x114: {  	v1 =	vadd.f32 v2, v1;
	_ =	sdelay $0x1  }
0x115: {  	[tilespmem:s17+$0x1A0] =	vst v1  }
0x116: {  	v1 =	vld [tilespmem:s16+$0xFFFFFFC0]  }
0x117: {  	v2 =	vld [tilespmem:s16+$0x0];
	_ =	sdelay $0x4  }
0x118: {  	v2 =	vsub.f32 v2, v1  }
0x119: {  	p2 =	sne.s32 s12, $0x1E00  }
.Ltmp0:
0x11a: {  	v1 =	vmul.f32 $8.000000000e+00, v1;
	v2 =	vmul.f32 v2, v3;
	(pc) =	sbr.rel @p2 .LBB2_3-.Ltmp0, $3  }
0x11b: {  	_ = 	snop  }
0x11c: {  	v1 =	vadd.f32 v2, v1;
	_ =	sdelay $0x1  }
0x11d: {  	s12 =	sadd.s32 $0x200, s12;
	s16 =	sadd.s32 $0x400, s16;
	[tilespmem:s17+$0x1B0] =	vst v1;
	s17 =	sadd.s32 $0x400, s17  }
0x11e: {  	s12 =	sshll.u32 s18, $0xB  }
0x11f: {  	s12 =	sadd.s32 s6, s12  }
0x120: {  	[hbm4b:s12+s3] =	stream.linear.scatter [tilespmem:s7], [sflag:s21], $0x4000, $0x38;
	[tilespmem:$0x1EC00] =	vst v63  }
0x121: {  	_ =	swait.ge @!p1 [sflag:s14], $0x80  }
0x122: {  	[sflag:s14] =	ssyncset.done @!p1 $0x0  }
0x123: {  	s7 =	simm.s32 @!p1 $0x80;
	[sflag:s14] =	ssyncadd.s32 @!p1 $0xFFFFFF80  }
0x124: {  	[tilespmem:s22], [sflag:s11] =	stream.indirect.gather @!p1 [hbm4b:s4+s7], $0x80, s20, s7, $0xb8;
	[tilespmem:$0x1EC00] =	vst v63  }
0x125: {  	s7 =	sshll.u32 @!p1 s13, $0x8  }
0x126: {  	s7 =	sand.u32 @!p1 $0x1FFFFF00, s7  }
0x127: {  	s9 =	sadd.s32 $0x1, s9;
	s11 =	simm.s32 @!p1 $0x0;
	s7 =	sadd.s32 @!p1 s5, s7  }
0x128: {  	[tilespmem:s15], [sflag:s10] =	stream.linear.gather @!p1 [hbm4b:s7+s11], $0x800, $0x38;
	[tilespmem:$0x1EC00] =	vst v63  }
0x129: {  	p1 =	sne.s32 s9, $0xC8  }
.Ltmp1:
0x12a: {  	_ = 	snop;
	(pc) =	sbr.rel @p1 .LBB2_2-.Ltmp1, $2  }
0x12b: {  	_ =	sdelay $0x2  }
0x12c: {  	s28 =	sadd.s32 $0x800, s28;
	s30 =	sadd.s32 $0x4000, s30;
	p0 =	por !p0, !p0  }
0x12d: {  	_ =	swait.ge [sflag:s31], $0x4000  }
0x12e: {  	[sflag:s31] =	ssyncset.done $0x0  }
0x12f: {  	[sflag:s31] =	ssyncadd.s32 $0xFFFFC000  }
0x130: {  	_ =	swait.ge [sflag:s2], $0x4000  }
0x131: {  	s24 =	sadd.s32 $0x1, s24;
	s7 =	rddreg [dreg:$0xd]  }
0x132: {  	p0 =	sne.s32 s24, s7  }
.Ltmp2:
0x133: {  	_ = 	snop;
	(pc) =	sbr.rel @p0 .LBB2_1-.Ltmp2, $3  }
0x134: {  	_ =	sdelay $0x1  }
0x135: {  	[sflag:s2] =	ssyncset.done $0x0  }
0x136: {  	[sflag:s2] =	ssyncadd.s32 $0xFFFFC000  }
0x137: {  	_ =	sfence.sel $0x180000  }
0x138: {  	[bflag:$0x0] =	sbarrier.arrive $0xFFFF  }
0x139: {  	_ =	strace $0x90000047  }
0x13a: {  	s0 =	stileid.u32;
	[bflag:$0x2] =	sbarrier.arrive $0xFFFF  }
0x13b: {  	p0 =	sne.s32 s0, $0x0;
	s0 =	rddreg [dreg:$0x2]  }
0x13c: {  	s0 =	sadd.s32 @!p0 $0x100000, s0  }
0x13d: {  	[sflag:s0] =	ssyncadd.tile.s32 @!p0 $0x1;
	_ =	shalt  }
.Lfunc_end2:
_tile_overlayer_lowered:
.L_overlay_start_2:
0x13e: {  	(tag) =	ssettag $0x2  }
0x13f: {  	s0 =	rddreg [dreg:$0x0];
	s2 =	stileid.u32  }
0x140: {  	s1 =	rddreg [dreg:$0x1];
	p0 =	sne.s32 s2, $0x0  }
0x141: {  	s3 =	rddreg [dreg:$0x2];
	[bflag:$0x3] =	sbarrier.arrive $0xFFFF;
	s2 =	simm.s32 @!p0 $0x1C12  }
0x142: {  	[timem:s3], [sflag:s2] =	dma.local @!p0 [hbm:s0], s1  }
0x143: {  	s0 =	simm.s32 @!p0 $0x12  }
0x144: {  	_ =	swait.ge @!p0 [sflag:s0], s1  }
0x145: {  	s1 =	ssub.s32 @!p0 $0x0, s1;
	[sflag:s0] =	ssyncset.done @!p0 $0x0  }
0x146: {  	[sflag:s0] =	ssyncadd.s32 @!p0 s1  }
0x147: {  	[bflag:$0x3] =	sbarrier.arrive $0xFFFF  }
0x148: {  	_ =	shalt  }

// kernel: sparse-core-data-format-call.cloned.1.call-start
scs
called_computation_lowered:
.L_overlay_start_0:
0x0: {  	s2 =	sld [smem:$0x3FD9]  }
0x1: {  	s3 =	sld [smem:$0x3FFE];
	_ =	sdelay $0x1  }
0x2: {  	s1 =	srdreg.scid  }
0x3: {  	s0 =	sand.u32 $0x1, s1  }
0x4: {  	s18 =	sshll.u32 s0, $0xA;
	s2 =	sadd.s32 s3, s2  }
0x5: {  	s2 =	sadd.s32 s2, s18  }
0x6: {  	[smem:$0x3FC6] =	sst s2  }
0x7: {  	_ = 	snop  }
0x8: {  	s2 =	sld [smem:$0x3FD0];
	(tm) =	ssettm $0x1  }
0x9: {  	s19 =	sld [smem:$0x3FFB];
	_ =	sdelay $0x3  }
0xa: {  	_ =	strace s19  }
0xb: {  	s3 =	sld [smem:$0x3FFC];
	_ =	sdelay $0x3  }
0xc: {  	_ =	strace s3  }
0xd: {  	s3 =	sld [smem:$0x3FFD];
	_ =	sdelay $0x3  }
0xe: {  	_ =	strace s3  }
0xf: {  	_ =	strace $0x8FFFFFFF  }
0x10: {  	s20 =	sld [smem:$0x3FDB];
	_ =	sdelay $0x1  }
0x11: {  	s4 =	simm.s32 $_scs_section_size  }
0x12: {  	s5 =	simm.s32 $_size__tile_overlayer_lowered;
	s6 =	simm.s32 $_tile_overlayer_lowered  }
0x13: {  	s23 =	simm.s32 $0x1BFF;
	s22 =	sshll.u32 s6, $0x1;
	s3 =	sadd.s32 s4, s20  }
0x14: {  	s7 =	simm.s32 $0x0;
	s21 =	sshll.u32 s5, $0x1;
	s5 =	sadd.s32 s22, s3  }
0x15: {  	[timem:s7], [sflag:s23] =	dma.local [hbm:s5], s21  }
0x16: {  	_ =	swait.ge [sflag:s23], s21  }
0x17: {  	s4 =	ssub.s32 $0x0, s21;
	[sflag:s23] =	ssyncset.done $0x0  }
0x18: {  	[sflag:s23] =	ssyncadd.s32 s4;
	_ =	sdelay $0x1  }
0x19: {  	s24 =	simm.s32 $0x1B8B  }
0x1a: {  	_ =	swait.ge [sflag:s24], $0x1  }
0x1b: {  	[sflag:s24] =	ssyncset.done $0x0  }
0x1c: {  	s26 =	simm.s32 $0x1B8E;
	s25 =	sld [smem:$0x3FFE];
	[sflag:s24] =	ssyncadd.s32 $0xFFFFFFFF  }
0x1d: {  	s27 =	simm.s32 $execute0_lowered;
	[smem:$0x3FD2] =	sst s26  }
0x1e: {  	s5 =	sshll.u32 s27, $0x1;
	_ =	strace $0x80000049;
	[dreg:$0x1] =	wrdreg $0xFFFFFFFF  }
0x1f: {  	s28 =	simm.s32 $_size_execute0_lowered;
	s3 =	sadd.s32 s3, s5;
	[dreg:$0x0] =	wrdreg $0x0  }
0x20: {  	s5 =	sshll.u32 s28, $0x1;
	[dreg:$0x2] =	wrdreg s3  }
0x21: {  	[dreg:$0x3] =	wrdreg s5  }
0x22: {  	[dreg:$0x4] =	wrdreg $0xC0  }
0x23: {  	_ =	task [dreg:s7], $0x5FFFF  }
0x24: {  	[dreg:$0x1] =	wrdreg $0xFFFFFFFF  }
0x25: {  	[dreg:$0x0] =	wrdreg $0x60  }
0x26: {  	[dreg:$0x2] =	wrdreg s25  }
0x27: {  	[dreg:$0x3] =	wrdreg s2  }
0x28: {  	[dreg:$0x4] =	wrdreg $0x9  }
0x29: {  	_ =	task.clear_ibuf [dreg:s7], $0x5FFFF;
	_ =	strace $0x90000049  }
0x2a: {  	s29 =	simm.s32 $0x9;
	_ =	strace $0x8000004B  }
0x2b: {  	_ =	swait.ge [sflag:s29], $0x1  }
0x2c: {  	[sflag:s29] =	ssyncadd.s32 $0xFFFFFFFF  }
0x2d: {  	_ =	strace $0x9000004B  }
0x2e: {  	_ =	sfence  }
0x2f: {  	s30 =	sld [smem:$0x0];
	_ =	sdelay $0x2  }
0x30: {  	s31 =	sshll.u32 s1, $0xD;
	s1 =	sshrl.u32 s1, $0x2  }
0x31: {  	s3 =	sand.u32 $0x4000, s31;
	s1 =	sadd.s32 s1, s30  }
0x32: {  	s0 =	sor.u32 s3, s0;
	s1 =	sshll.u32 s1, $0x11  }
0x33: {  	s0 =	sor.u32 s1, s0  }
0x34: {  	s0 =	sadd.s32 $0x8F2B, s0  }
0x35: {  	[sflag:s0] =	ssyncadd.remote.s32 $0x1  }
0x36: {  	_ =	sfence.sel $0xFFFF  }
0x37: {  	[dreg:$0x0] =	wrdreg $0xFFFFFFFF;
	(pc) =	sbr.abs _section_cstart, $3  }
0x38: {  	[dreg:$0x1] =	wrdreg $0xFFFFFFFF  }
0x39: {  	_ =	task.clear_ibuf [dreg:s7], $0x2FFFF;
	_ =	strace $0x9FFFFFFF  }
0x3a: {  	(tm) =	ssettm $0x7FFFFFFF  }
0x3b: {  	_ =	shalt  }
tec
execute0_lowered:
.L_overlay_start_1:
0x0: {  	(tag) =	ssettag $0x1  }
0x1: {  	s0 =	srdreg.scid  }
0x2: {  	s1 =	sshll.u32 s0, $0x4  }
0x3: {  	s0 =	stileid.u32;
	s1 =	sand.u32 $0x10, s1  }
0x4: {  	s1 =	sor.u32 s0, s1  }
0x5: {  	s6 =	rddreg [dreg:$0x0];
	s4 =	simm.s32 $0x1;
	s2 =	sshll.u32 s1, $0x7  }
0x6: {  	s7 =	simm.s32 $0x2;
	s12 =	simm.s32 $0x0;
	s1 =	ssub.s32 $0x1000, s2  }
0x7: {  	s8 =	simm.s32 $0x8000;
	s13 =	simm.s32 $0x0;
	s3 =	sand.u32 $0xF80, s1  }
0x8: {  	s9 =	simm.s32 $0x0;
	s5 =	sshrl.u32 s1, $0xC;
	p0 =	sne.s32 s3, $0x0  }
.Ltmp0:
0x9: {  	s1 =	rddreg [dreg:$0x2];
	s4 =	simm.s32 @!p0 $0x0;
	(pc) =	sbr.rel .LBB1_1-.Ltmp0, $4  }
0xa: {  	s11 =	simm.s32 $0x0;
	s3 =	rddreg [dreg:$0x1];
	s5 =	sadd.s32 s4, s5  }
0xb: {  	_ =	strace $0x8000004A;
	s4 =	simm.s32 $0x1;
	s5 =	smul.u32 $0xC8, s5  }
0xc: {  	s6 =	sadd.s32 $0x1A9E00, s6;
	s10 =	smov.u32 s2;
	[sflag:s4] =	ssyncpa.u1 $0x0  }
0xd: {  	p0 =	por $0x0, $0x0;
	[sflag:s7] =	ssyncpa.u1 $0x0;
	s7 =	sor.u32 $0x1, s5  }
.LBB1_4:
0xe: {  	s16 =	sshll.u32 s13, $0x3;
	s17 =	sand.u32 $0x78, s13  }
0xf: {  	s30 =	sand.u32 $0x7E00, s13;
	s12 =	sshll.u32 s12, $0xF;
	s16 =	sand.u32 $0xC00, s16  }
0x10: {  	[tilespmem:s15+$0x810 ss:$0x81] =	vst.msk $0xffff, v2;
	s31 =	sand.u32 $0x7, s13;
	s16 =	sor.u32 s17, s16;
	s17 =	sadd.s32 s3, s30  }
0x11: {  	[tilespmem:s15+$0x1020 ss:$0x81] =	vst.msk $0xffff, v0;
	s13 =	sshll.u32 s31, $0x12;
	s12 =	sadd.s32 s12, s17;
	s16 =	sshrl.u32 s16, $0x3  }
0x12: {  	[tilespmem:s15+$0x0 ss:$0x81] =	vst.msk $0xffff, v1;
	s13 =	sor.u32 $0x400, s13;
	s12 =	sadd.s32 s16, s12  }
0x13: {  	[hbm4b:s12+s13] =	stream.strided.scatter [tilespmem:s14], [sflag:$0x2], $0x2000, s8, s13, $0x20;
	[tilespmem:$0x8080] =	vst v63  }
.LBB1_5:
0x14: {  	s14 =	sadd.s32 $0x1, s9  }
0x15: {  	s12 =	sadd.s32 $0x1000, s10;
	s16 =	smov.u32 s10;
	p2 =	sgt.s32 s14, $0xC7  }
0x16: {  	s16 =	smov.u32 @p2 s12  }
0x17: {  	s14 =	simm.s32 @p2 $0x0;
	p2 =	sgt.s32 s16, $0xFFF  }
0x18: {  	s16 =	smov.u32 @p2 s2;
	p2 =	sne.s32 s11, s7  }
.Ltmp1:
0x19: {  	p1 =	slt.u32 s11, $0x2;
	(pc) =	sbr.rel @!p2 .LBB1_6-.Ltmp1, $4  }
0x1a: {  	s15 =	simm.s32 @!p1 $0x2  }
0x1b: {  	s13 =	smov.u32 s10;
	p0 =	por !p0, !p0;
	_ =	swait.ge @!p1 [sflag:s15], $0x2000  }
0x1c: {  	s12 =	smov.u32 s9;
	[sflag:s15] =	ssyncset.done @!p1 $0x0;
	s9 =	smov.u32 s14  }
0x1d: {  	s11 =	sadd.s32 $0x1, s11;
	[sflag:s15] =	ssyncadd.s32 @!p1 $0xFFFFE000;
	s10 =	smov.u32 s16  }
.LBB1_1:
0x1e: {  	p1 =	sge.u32 s11, s5  }
0x1f: {  	s14 =	sand.u32 @!p1 $0x1FFFFFF, s9  }
0x20: {  	s15 =	smulhi.u32 @!p1 $0x147AE15, s14;
	_ =	sdelay $0x1  }
0x21: {  	s15 =	smul.u32 @!p1 $0xC8, s15  }
0x22: {  	s16 =	sxor.u32 @!p1 $0xFFFFFFFF, s11;
	s17 =	smul.u32 @!p1 $0xC80, s10  }
0x23: {  	s31 =	sadd.s32 $0xFFFFFFFF, s11;
	s16 =	sshll.u32 @!p1 s16, $0xD;
	s14 =	ssub.s32 @!p1 s14, s15  }
0x24: {  	s15 =	sand.u32 @!p1 $0x2000, s16;
	s16 =	sadd.s32 @!p1 s6, s17;
	s14 =	sshll.u32 @!p1 s14, $0x4  }
0x25: {  	s17 =	simm.s32 @!p1 $0x6400;
	s14 =	sadd.s32 @!p1 s14, s16;
	s16 =	simm.s32 @!p1 $0x40  }
0x26: {  	[tilespmem:s15], [sflag:$0x1] =	stream.strided.gather @!p1 [hbm4b:s14+s16], $0x2000, s17, s16, $0x38;
	[tilespmem:$0x8080] =	vst v63  }
0x27: {  	p1 =	sge.u32 s31, s5  }
.Ltmp2:
0x28: {  	_ = 	snop;
	(pc) =	sbr.rel @p1 .LBB1_5-.Ltmp2, $1  }
0x29: {  	_ =	sdelay $0x3  }
0x2a: {  	s14 =	simm.s32 $0x1  }
0x2b: {  	_ =	swait.ge [sflag:s4], $0x2000;
	s14 =	simm.s32 @!p0 $0x0  }
0x2c: {  	[sflag:s4] =	ssyncset.done $0x0;
	s15 =	sshll.u32 s14, $0xD  }
0x2d: {  	[sflag:s4] =	ssyncadd.s32 $0xFFFFE000;
	s18 =	sor.u32 $0x20, s15  }
0x2e: {  	s14 =	smul.u32 $0x8100, s14;
	v3 =	vld [tilespmem:s18+$0x10]  }
0x2f: {  	s30 =	sand.u32 $0x1, s11;
	v2 =	vld [tilespmem:s18+$0xFFFFFFF0]  }
0x30: {  	s15 =	smul.u32 $0x8100, s30;
	s14 =	sshrl.u32 s14, $0x2;
	v0 =	vld [tilespmem:s18+$0x0]  }
0x31: {  	v1 =	vld [tilespmem:s18+$0xFFFFFFE0];
	s16 =	sor.u32 $0x4000, s14  }
0x32: {  	s31 =	sshrl.u32 s15, $0x2;
	s15 =	sadd.s32 $0x0, s16  }
0x33: {  	s17 =	simm.s32 $0x4;
	s18 =	sadd.s32 $0x40, s18;
	s14 =	sor.u32 $0x4000, s31;
	[tilespmem:s15+$0x1830 ss:$0x81] =	vst.msk $0xffff, v3  }
.LBB1_3:
0x34: {  	v3 =	vld [tilespmem:s18+$0x10];
	p1 =	sne.s32 s17, $0x1FC;
	[tilespmem:s15+$0x810 ss:$0x81] =	vst.msk $0xffff, v2;
	s19 =	smov.u32 s17;
	s17 =	sadd.s32 $0x4, s17  }
.Ltmp3:
0x35: {  	v2 =	vld [tilespmem:s18+$0xFFFFFFF0];
	[tilespmem:s15+$0x1020 ss:$0x81] =	vst.msk $0xffff, v0;
	(pc) =	sbr.rel @p1 .LBB1_3-.Ltmp3, $4  }
0x36: {  	v0 =	vld [tilespmem:s18+$0x0];
	[tilespmem:s15+$0x0 ss:$0x81] =	vst.msk $0xffff, v1  }
0x37: {  	s15 =	sshra.s32 s19, $0x2;
	v1 =	vld [tilespmem:s18+$0xFFFFFFE0]  }
0x38: {  	s15 =	sadd.s32 s15, s16  }
0x39: {  	s18 =	sadd.s32 $0x40, s18;
	[tilespmem:s15+$0x1830 ss:$0x81] =	vst.msk $0xffff, v3  }
.Ltmp4:
0x3a: {  	_ = 	snop;
	(pc) =	sbr.rel .LBB1_4-.Ltmp4, $1  }
0x3b: {  	_ =	sdelay $0x3  }
.LBB1_6:
0x3c: {  	_ =	sfence.sel $0x180000  }
0x3d: {  	s2 =	simm.s32 $0x1;
	[bflag:$0x0] =	sbarrier.arrive $0xFFFF  }
0x3e: {  	s31 =	simm.s32 $0x2;
	[sflag:s2] =	ssyncpa.u1 $0x1  }
0x3f: {  	[sflag:s31] =	ssyncpa.u1 $0x1  }
0x40: {  	p0 =	sne.s32 s0, $0x0;
	_ =	strace $0x9000004A  }
0x41: {  	s0 =	sadd.s32 @!p0 $0x100000, s1;
	[bflag:$0x2] =	sbarrier.arrive $0xFFFF  }
0x42: {  	[sflag:s0] =	ssyncadd.tile.s32 @!p0 $0x1;
	_ =	shalt  }
.Lfunc_end1:
_tile_overlayer_lowered:
.L_overlay_start_2:
0x43: {  	(tag) =	ssettag $0x2  }
0x44: {  	s0 =	rddreg [dreg:$0x0];
	s2 =	stileid.u32  }
0x45: {  	s1 =	rddreg [dreg:$0x1];
	p0 =	sne.s32 s2, $0x0  }
0x46: {  	s3 =	rddreg [dreg:$0x2];
	[bflag:$0x3] =	sbarrier.arrive $0xFFFF;
	s2 =	simm.s32 @!p0 $0x1C01  }
0x47: {  	[timem:s3], [sflag:s2] =	dma.local @!p0 [hbm:s0], s1  }
0x48: {  	s0 =	simm.s32 @!p0 $0x1  }
0x49: {  	_ =	swait.ge @!p0 [sflag:s0], s1  }
0x4a: {  	s1 =	ssub.s32 @!p0 $0x0, s1;
	[sflag:s0] =	ssyncset.done @!p0 $0x0  }
0x4b: {  	[sflag:s0] =	ssyncadd.s32 @!p0 s1  }
0x4c: {  	[bflag:$0x3] =	sbarrier.arrive $0xFFFF  }
0x4d: {  	_ =	shalt  }

</sc_bundles>
